<compile_context>
chip_gen: v7x
topology: tpu7x:2x2x1
jax: 0.10.2.dev20260603
libtpu: 0.0.44.dev20260713+nightly
codegen_flags: <defaults>
</compile_context>

<pallas_src>
import functools

import jax
import jax.numpy as jnp
from jax import lax
from jax.experimental import pallas as pl
from jax.experimental.pallas import tpu as pltpu
from jax.experimental.pallas import tpu_sc as plsc

EMBED_DIM = 32
HPAD = 56
EPAD = 128
NUM_CORES = 2
NUM_SUBCORES = 16
NW = NUM_CORES * NUM_SUBCORES
NB = 8


@functools.lru_cache(maxsize=None)
def _make_kernel(batch: int, hist: int):
    per_w = batch // NW
    n_blocks = per_w // NB
    mesh = plsc.VectorSubcoreMesh(core_axis_name="c", subcore_axis_name="s")

    @functools.partial(
        pl.kernel,
        mesh=mesh,
        compiler_params=pltpu.CompilerParams(use_tc_tiling_on_sc=False),
        out_type=jax.ShapeDtypeStruct((batch, HPAD, EPAD), jnp.float32),
        scratch_types=[
            pltpu.VMEM((per_w, hist), jnp.int32),
            pltpu.VMEM((2, NB, hist, EMBED_DIM), jnp.float32),
            pltpu.SemaphoreType.DMA,
            pltpu.SemaphoreType.DMA,
        ],
    )
    def emb(x_hbm, table_hbm, out_hbm, idx_v, rows_v, gsem, wsem):
        wid = lax.axis_index("s") * NUM_CORES + lax.axis_index("c")
        base = wid * per_w
        pltpu.sync_copy(x_hbm.at[wid], idx_v)

        def gather(tb, s, b):
            return pltpu.make_async_copy(
                table_hbm.at[idx_v.at[tb * NB + b]],
                rows_v.at[s].at[b],
                gsem,
            )

        def write(tb, s, b):
            return pltpu.make_async_copy(
                rows_v.at[s].at[b],
                out_hbm.at[base + tb * NB + b].at[pl.ds(0, hist),
                                                  pl.ds(0, EMBED_DIM)],
                wsem,
            )

        for b in range(NB):
            gather(0, 0, b).start()

        def body(tb, carry):
            s = lax.rem(tb, 2)
            for b in range(NB):
                gather(tb, s, b).wait()
            @pl.when(tb >= 1)
            def _():
                for b in range(NB):
                    write(tb - 1, 1 - s, b).wait()
            for b in range(NB):
                write(tb, s, b).start()
            @pl.when(tb + 1 < n_blocks)
            def _():
                for b in range(NB):
                    gather(tb + 1, 1 - s, b).start()
            return carry

        lax.fori_loop(0, n_blocks, body, 0)
        for b in range(NB):
            write(n_blocks - 1, lax.rem(n_blocks - 1, 2), b).wait()

    return emb


def kernel(x, table):
    b, h = x.shape
    xr = x.astype(jnp.int32).reshape(NW, b // NW, h)
    outp = _make_kernel(b, h)(xr, table)
    return outp[:, :h, :EMBED_DIM]

# --- scband reference (transcript-rebuilt; emitter-appended) ---
"""Pipeline reference for scband-vocab-embedding-41455024341735 (READ-ONLY COPY).

The authoritative reference and input builder live on the scoring server;
editing this copy changes nothing except your own understanding.
"""

import jax, jax.numpy as jnp
import numpy as np

VOCAB = 1000000
EMBED_DIM = 32
BATCH = 16384
HIST = 50

def setup_inputs(seed: int = 0) -> dict:
    key = jax.random.key(seed)
    k_idx, k_tab = jax.random.split(key)
    x = jax.random.randint(k_idx, (BATCH, HIST), 0, VOCAB, dtype=jnp.int64 if jax.config.jax_enable_x64 else jnp.int32)
    table = jax.random.normal(k_tab, (VOCAB, EMBED_DIM), dtype=jnp.float32)
    return {"x": x, "table": table}

def reference(x, table):
    # nn.Embedding lookup: out[b, t, :] = table[x[b, t], :]
    return jnp.take(table, x, axis=0)

if __name__ == "__main__":
    import jax
    _d = setup_inputs()
    print(jax.jit(kernel)(*tuple(_d.values())))

</pallas_src>

<mosaic_0001>
#map = affine_map<(d0, d1) -> (0, 0, 0)>
#map1 = affine_map<(d0, d1) -> (0, 0)>
module attributes {stable_mosaic.version = 14 : i64} {
  func.func @emb(%arg0: i32, %arg1: i32, %arg2: memref<32x512x50xi32, #tpu.memory_space<hbm>>, %arg3: memref<1000000x32xf32, #tpu.memory_space<hbm>>, %arg4: memref<16384x56x128xf32, #tpu.memory_space<hbm>>, %arg5: memref<512x50xi32, #tpu.memory_space<vmem>>, %arg6: memref<2x8x50x32xf32, #tpu.memory_space<vmem>>, %arg7: memref<!tpu.dma_semaphore, #tpu.memory_space<semaphore_mem>>, %arg8: memref<!tpu.dma_semaphore, #tpu.memory_space<semaphore_mem>>) attributes {dimension_semantics = [#tpu.dimension_semantics<core_parallel>, #tpu.dimension_semantics<subcore_parallel>], iteration_bounds = array<i64: 2, 16>, scalar_prefetch = 0 : i64, scratch_operands = 4 : i64, tpu.core_type = #tpu.core_type<sc_vector_subcore>, window_params = [{transform_indices = #map}, {transform_indices = #map1}, {transform_indices = #map}]} {
    %mul3A = arith.constant 2 : i32
    %mul3A_0 = arith.muli %arg1, %mul3A : i32
    %add3A = arith.addi %mul3A_0, %arg0 : i32
    %mul3A_1 = arith.constant 512 : i32
    %mul3A_2 = arith.muli %add3A, %mul3A_1 : i32
    "tpu.region"() ({
      %run_scoped3A = tpu.sem_alloc : memref<!tpu.dma_semaphore, #tpu.memory_space<semaphore_mem>>
      %dma_start3A_469 = arith.constant 0 : i32
      %dma_start3A_470 = arith.constant 0 : i32
      %dma_start3A_471 = tpu.memref_slice %arg2[%add3A, %dma_start3A_469, %dma_start3A_470] : memref<32x512x50xi32, #tpu.memory_space<hbm>> -> memref<1x512x50xi32, #tpu.memory_space<hbm>>
      %dma_start3A_472 = tpu.memref_squeeze %dma_start3A_471 : memref<1x512x50xi32, #tpu.memory_space<hbm>> -> memref<512x50xi32, #tpu.memory_space<hbm>>
      %dma_start3A_473 = arith.constant 0 : i32
      %dma_start3A_474 = arith.constant 0 : i32
      %dma_start3A_475 = tpu.memref_slice %arg2[%add3A, %dma_start3A_473, %dma_start3A_474] : memref<32x512x50xi32, #tpu.memory_space<hbm>> -> memref<1x512x50xi32, #tpu.memory_space<hbm>>
      %dma_start3A_476 = tpu.memref_squeeze %dma_start3A_475 : memref<1x512x50xi32, #tpu.memory_space<hbm>> -> memref<512x50xi32, #tpu.memory_space<hbm>>
      tpu.enqueue_dma source(%dma_start3A_476 : memref<512x50xi32, #tpu.memory_space<hbm>>) target(%arg5 : memref<512x50xi32, #tpu.memory_space<vmem>>) target_semaphore(%run_scoped3A : memref<!tpu.dma_semaphore, #tpu.memory_space<semaphore_mem>>)
      %dma_wait3A_477 = arith.constant 0 : i32
      %dma_wait3A_478 = arith.constant 0 : i32
      %dma_wait3A_479 = tpu.memref_slice %arg2[%add3A, %dma_wait3A_477, %dma_wait3A_478] : memref<32x512x50xi32, #tpu.memory_space<hbm>> -> memref<1x512x50xi32, #tpu.memory_space<hbm>>
      %dma_wait3A_480 = tpu.memref_squeeze %dma_wait3A_479 : memref<1x512x50xi32, #tpu.memory_space<hbm>> -> memref<512x50xi32, #tpu.memory_space<hbm>>
      %dma_wait3A_481 = arith.constant 0 : i32
      %dma_wait3A_482 = arith.constant 0 : i32
      %dma_wait3A_483 = tpu.memref_slice %arg2[%add3A, %dma_wait3A_481, %dma_wait3A_482] : memref<32x512x50xi32, #tpu.memory_space<hbm>> -> memref<1x512x50xi32, #tpu.memory_space<hbm>>
      %dma_wait3A_484 = tpu.memref_squeeze %dma_wait3A_483 : memref<1x512x50xi32, #tpu.memory_space<hbm>> -> memref<512x50xi32, #tpu.memory_space<hbm>>
      tpu.wait_dma2 semaphore(%run_scoped3A : memref<!tpu.dma_semaphore, #tpu.memory_space<semaphore_mem>>) src(%dma_wait3A_484 : memref<512x50xi32, #tpu.memory_space<hbm>>) dst(%arg5 : memref<512x50xi32, #tpu.memory_space<vmem>>)
      tpu.yield
    }) : () -> ()
    %dma_start3A = arith.constant 0 : i32
    %dma_start3A_3 = arith.constant 0 : i32
    %dma_start3A_4 = arith.constant 0 : i32
    %dma_start3A_5 = arith.constant 0 : i32
    %dma_start3A_6 = arith.constant 0 : i32
    %dma_start3A_7 = arith.constant 0 : i32
    %dma_start3A_8 = tpu.memref_slice %arg6[%dma_start3A_3, %dma_start3A_5, %dma_start3A_6, %dma_start3A_7] : memref<2x8x50x32xf32, #tpu.memory_space<vmem>> -> memref<1x8x50x32xf32, #tpu.memory_space<vmem>>
    %dma_start3A_9 = tpu.memref_squeeze %dma_start3A_8 : memref<1x8x50x32xf32, #tpu.memory_space<vmem>> -> memref<8x50x32xf32, #tpu.memory_space<vmem>>
    %dma_start3A_10 = arith.constant 0 : i32
    %dma_start3A_11 = arith.constant 0 : i32
    %dma_start3A_12 = tpu.memref_slice %dma_start3A_9[%dma_start3A_4, %dma_start3A_10, %dma_start3A_11] : memref<8x50x32xf32, #tpu.memory_space<vmem>> -> memref<1x50x32xf32, #tpu.memory_space<vmem>>
    %dma_start3A_13 = tpu.memref_squeeze %dma_start3A_12 : memref<1x50x32xf32, #tpu.memory_space<vmem>> -> memref<50x32xf32, #tpu.memory_space<vmem>>
    %dma_start3A_14 = arith.constant 0 : i32
    %dma_start3A_15 = tpu.memref_slice %arg5[%dma_start3A, %dma_start3A_14] : memref<512x50xi32, #tpu.memory_space<vmem>> -> memref<1x50xi32, #tpu.memory_space<vmem>>
    %dma_start3A_16 = tpu.memref_squeeze %dma_start3A_15 : memref<1x50xi32, #tpu.memory_space<vmem>> -> memref<50xi32, #tpu.memory_space<vmem>>
    %dma_start3A_17 = arith.constant 0 : i32
    %dma_start3A_18 = arith.constant 0 : i32
    %dma_start3A_19 = tpu.memref_slice %arg3[%dma_start3A_17, %dma_start3A_18] : memref<1000000x32xf32, #tpu.memory_space<hbm>> -> memref<1000000x32xf32, #tpu.memory_space<hbm>>
    tpu.enqueue_indirect_dma source(%dma_start3A_19 : memref<1000000x32xf32, #tpu.memory_space<hbm>>) target(%dma_start3A_13 : memref<50x32xf32, #tpu.memory_space<vmem>>) offsets(%dma_start3A_16 : memref<50xi32, #tpu.memory_space<vmem>>) semaphore(%arg7 : memref<!tpu.dma_semaphore, #tpu.memory_space<semaphore_mem>>)
    %dma_start3A_20 = arith.constant 1 : i32
    %dma_start3A_21 = arith.constant 0 : i32
    %dma_start3A_22 = arith.constant 1 : i32
    %dma_start3A_23 = arith.constant 0 : i32
    %dma_start3A_24 = arith.constant 0 : i32
    %dma_start3A_25 = arith.constant 0 : i32
    %dma_start3A_26 = tpu.memref_slice %arg6[%dma_start3A_21, %dma_start3A_23, %dma_start3A_24, %dma_start3A_25] : memref<2x8x50x32xf32, #tpu.memory_space<vmem>> -> memref<1x8x50x32xf32, #tpu.memory_space<vmem>>
    %dma_start3A_27 = tpu.memref_squeeze %dma_start3A_26 : memref<1x8x50x32xf32, #tpu.memory_space<vmem>> -> memref<8x50x32xf32, #tpu.memory_space<vmem>>
    %dma_start3A_28 = arith.constant 0 : i32
    %dma_start3A_29 = arith.constant 0 : i32
    %dma_start3A_30 = tpu.memref_slice %dma_start3A_27[%dma_start3A_22, %dma_start3A_28, %dma_start3A_29] : memref<8x50x32xf32, #tpu.memory_space<vmem>> -> memref<1x50x32xf32, #tpu.memory_space<vmem>>
    %dma_start3A_31 = tpu.memref_squeeze %dma_start3A_30 : memref<1x50x32xf32, #tpu.memory_space<vmem>> -> memref<50x32xf32, #tpu.memory_space<vmem>>
    %dma_start3A_32 = arith.constant 0 : i32
    %dma_start3A_33 = tpu.memref_slice %arg5[%dma_start3A_20, %dma_start3A_32] : memref<512x50xi32, #tpu.memory_space<vmem>> -> memref<1x50xi32, #tpu.memory_space<vmem>>
    %dma_start3A_34 = tpu.memref_squeeze %dma_start3A_33 : memref<1x50xi32, #tpu.memory_space<vmem>> -> memref<50xi32, #tpu.memory_space<vmem>>
    %dma_start3A_35 = arith.constant 0 : i32
    %dma_start3A_36 = arith.constant 0 : i32
    %dma_start3A_37 = tpu.memref_slice %arg3[%dma_start3A_35, %dma_start3A_36] : memref<1000000x32xf32, #tpu.memory_space<hbm>> -> memref<1000000x32xf32, #tpu.memory_space<hbm>>
    tpu.enqueue_indirect_dma source(%dma_start3A_37 : memref<1000000x32xf32, #tpu.memory_space<hbm>>) target(%dma_start3A_31 : memref<50x32xf32, #tpu.memory_space<vmem>>) offsets(%dma_start3A_34 : memref<50xi32, #tpu.memory_space<vmem>>) semaphore(%arg7 : memref<!tpu.dma_semaphore, #tpu.memory_space<semaphore_mem>>)
    %dma_start3A_38 = arith.constant 2 : i32
    %dma_start3A_39 = arith.constant 0 : i32
    %dma_start3A_40 = arith.constant 2 : i32
    %dma_start3A_41 = arith.constant 0 : i32
    %dma_start3A_42 = arith.constant 0 : i32
    %dma_start3A_43 = arith.constant 0 : i32
    %dma_start3A_44 = tpu.memref_slice %arg6[%dma_start3A_39, %dma_start3A_41, %dma_start3A_42, %dma_start3A_43] : memref<2x8x50x32xf32, #tpu.memory_space<vmem>> -> memref<1x8x50x32xf32, #tpu.memory_space<vmem>>
    %dma_start3A_45 = tpu.memref_squeeze %dma_start3A_44 : memref<1x8x50x32xf32, #tpu.memory_space<vmem>> -> memref<8x50x32xf32, #tpu.memory_space<vmem>>
    %dma_start3A_46 = arith.constant 0 : i32
    %dma_start3A_47 = arith.constant 0 : i32
    %dma_start3A_48 = tpu.memref_slice %dma_start3A_45[%dma_start3A_40, %dma_start3A_46, %dma_start3A_47] : memref<8x50x32xf32, #tpu.memory_space<vmem>> -> memref<1x50x32xf32, #tpu.memory_space<vmem>>
    %dma_start3A_49 = tpu.memref_squeeze %dma_start3A_48 : memref<1x50x32xf32, #tpu.memory_space<vmem>> -> memref<50x32xf32, #tpu.memory_space<vmem>>
    %dma_start3A_50 = arith.constant 0 : i32
    %dma_start3A_51 = tpu.memref_slice %arg5[%dma_start3A_38, %dma_start3A_50] : memref<512x50xi32, #tpu.memory_space<vmem>> -> memref<1x50xi32, #tpu.memory_space<vmem>>
    %dma_start3A_52 = tpu.memref_squeeze %dma_start3A_51 : memref<1x50xi32, #tpu.memory_space<vmem>> -> memref<50xi32, #tpu.memory_space<vmem>>
    %dma_start3A_53 = arith.constant 0 : i32
    %dma_start3A_54 = arith.constant 0 : i32
    %dma_start3A_55 = tpu.memref_slice %arg3[%dma_start3A_53, %dma_start3A_54] : memref<1000000x32xf32, #tpu.memory_space<hbm>> -> memref<1000000x32xf32, #tpu.memory_space<hbm>>
    tpu.enqueue_indirect_dma source(%dma_start3A_55 : memref<1000000x32xf32, #tpu.memory_space<hbm>>) target(%dma_start3A_49 : memref<50x32xf32, #tpu.memory_space<vmem>>) offsets(%dma_start3A_52 : memref<50xi32, #tpu.memory_space<vmem>>) semaphore(%arg7 : memref<!tpu.dma_semaphore, #tpu.memory_space<semaphore_mem>>)
    %dma_start3A_56 = arith.constant 3 : i32
    %dma_start3A_57 = arith.constant 0 : i32
    %dma_start3A_58 = arith.constant 3 : i32
    %dma_start3A_59 = arith.constant 0 : i32
    %dma_start3A_60 = arith.constant 0 : i32
    %dma_start3A_61 = arith.constant 0 : i32
    %dma_start3A_62 = tpu.memref_slice %arg6[%dma_start3A_57, %dma_start3A_59, %dma_start3A_60, %dma_start3A_61] : memref<2x8x50x32xf32, #tpu.memory_space<vmem>> -> memref<1x8x50x32xf32, #tpu.memory_space<vmem>>
    %dma_start3A_63 = tpu.memref_squeeze %dma_start3A_62 : memref<1x8x50x32xf32, #tpu.memory_space<vmem>> -> memref<8x50x32xf32, #tpu.memory_space<vmem>>
    %dma_start3A_64 = arith.constant 0 : i32
    %dma_start3A_65 = arith.constant 0 : i32
    %dma_start3A_66 = tpu.memref_slice %dma_start3A_63[%dma_start3A_58, %dma_start3A_64, %dma_start3A_65] : memref<8x50x32xf32, #tpu.memory_space<vmem>> -> memref<1x50x32xf32, #tpu.memory_space<vmem>>
    %dma_start3A_67 = tpu.memref_squeeze %dma_start3A_66 : memref<1x50x32xf32, #tpu.memory_space<vmem>> -> memref<50x32xf32, #tpu.memory_space<vmem>>
    %dma_start3A_68 = arith.constant 0 : i32
    %dma_start3A_69 = tpu.memref_slice %arg5[%dma_start3A_56, %dma_start3A_68] : memref<512x50xi32, #tpu.memory_space<vmem>> -> memref<1x50xi32, #tpu.memory_space<vmem>>
    %dma_start3A_70 = tpu.memref_squeeze %dma_start3A_69 : memref<1x50xi32, #tpu.memory_space<vmem>> -> memref<50xi32, #tpu.memory_space<vmem>>
    %dma_start3A_71 = arith.constant 0 : i32
    %dma_start3A_72 = arith.constant 0 : i32
    %dma_start3A_73 = tpu.memref_slice %arg3[%dma_start3A_71, %dma_start3A_72] : memref<1000000x32xf32, #tpu.memory_space<hbm>> -> memref<1000000x32xf32, #tpu.memory_space<hbm>>
    tpu.enqueue_indirect_dma source(%dma_start3A_73 : memref<1000000x32xf32, #tpu.memory_space<hbm>>) target(%dma_start3A_67 : memref<50x32xf32, #tpu.memory_space<vmem>>) offsets(%dma_start3A_70 : memref<50xi32, #tpu.memory_space<vmem>>) semaphore(%arg7 : memref<!tpu.dma_semaphore, #tpu.memory_space<semaphore_mem>>)
    %dma_start3A_74 = arith.constant 4 : i32
    %dma_start3A_75 = arith.constant 0 : i32
    %dma_start3A_76 = arith.constant 4 : i32
    %dma_start3A_77 = arith.constant 0 : i32
    %dma_start3A_78 = arith.constant 0 : i32
    %dma_start3A_79 = arith.constant 0 : i32
    %dma_start3A_80 = tpu.memref_slice %arg6[%dma_start3A_75, %dma_start3A_77, %dma_start3A_78, %dma_start3A_79] : memref<2x8x50x32xf32, #tpu.memory_space<vmem>> -> memref<1x8x50x32xf32, #tpu.memory_space<vmem>>
    %dma_start3A_81 = tpu.memref_squeeze %dma_start3A_80 : memref<1x8x50x32xf32, #tpu.memory_space<vmem>> -> memref<8x50x32xf32, #tpu.memory_space<vmem>>
    %dma_start3A_82 = arith.constant 0 : i32
    %dma_start3A_83 = arith.constant 0 : i32
    %dma_start3A_84 = tpu.memref_slice %dma_start3A_81[%dma_start3A_76, %dma_start3A_82, %dma_start3A_83] : memref<8x50x32xf32, #tpu.memory_space<vmem>> -> memref<1x50x32xf32, #tpu.memory_space<vmem>>
    %dma_start3A_85 = tpu.memref_squeeze %dma_start3A_84 : memref<1x50x32xf32, #tpu.memory_space<vmem>> -> memref<50x32xf32, #tpu.memory_space<vmem>>
    %dma_start3A_86 = arith.constant 0 : i32
    %dma_start3A_87 = tpu.memref_slice %arg5[%dma_start3A_74, %dma_start3A_86] : memref<512x50xi32, #tpu.memory_space<vmem>> -> memref<1x50xi32, #tpu.memory_space<vmem>>
    %dma_start3A_88 = tpu.memref_squeeze %dma_start3A_87 : memref<1x50xi32, #tpu.memory_space<vmem>> -> memref<50xi32, #tpu.memory_space<vmem>>
    %dma_start3A_89 = arith.constant 0 : i32
    %dma_start3A_90 = arith.constant 0 : i32
    %dma_start3A_91 = tpu.memref_slice %arg3[%dma_start3A_89, %dma_start3A_90] : memref<1000000x32xf32, #tpu.memory_space<hbm>> -> memref<1000000x32xf32, #tpu.memory_space<hbm>>
    tpu.enqueue_indirect_dma source(%dma_start3A_91 : memref<1000000x32xf32, #tpu.memory_space<hbm>>) target(%dma_start3A_85 : memref<50x32xf32, #tpu.memory_space<vmem>>) offsets(%dma_start3A_88 : memref<50xi32, #tpu.memory_space<vmem>>) semaphore(%arg7 : memref<!tpu.dma_semaphore, #tpu.memory_space<semaphore_mem>>)
    %dma_start3A_92 = arith.constant 5 : i32
    %dma_start3A_93 = arith.constant 0 : i32
    %dma_start3A_94 = arith.constant 5 : i32
    %dma_start3A_95 = arith.constant 0 : i32
    %dma_start3A_96 = arith.constant 0 : i32
    %dma_start3A_97 = arith.constant 0 : i32
    %dma_start3A_98 = tpu.memref_slice %arg6[%dma_start3A_93, %dma_start3A_95, %dma_start3A_96, %dma_start3A_97] : memref<2x8x50x32xf32, #tpu.memory_space<vmem>> -> memref<1x8x50x32xf32, #tpu.memory_space<vmem>>
    %dma_start3A_99 = tpu.memref_squeeze %dma_start3A_98 : memref<1x8x50x32xf32, #tpu.memory_space<vmem>> -> memref<8x50x32xf32, #tpu.memory_space<vmem>>
    %dma_start3A_100 = arith.constant 0 : i32
    %dma_start3A_101 = arith.constant 0 : i32
    %dma_start3A_102 = tpu.memref_slice %dma_start3A_99[%dma_start3A_94, %dma_start3A_100, %dma_start3A_101] : memref<8x50x32xf32, #tpu.memory_space<vmem>> -> memref<1x50x32xf32, #tpu.memory_space<vmem>>
    %dma_start3A_103 = tpu.memref_squeeze %dma_start3A_102 : memref<1x50x32xf32, #tpu.memory_space<vmem>> -> memref<50x32xf32, #tpu.memory_space<vmem>>
    %dma_start3A_104 = arith.constant 0 : i32
    %dma_start3A_105 = tpu.memref_slice %arg5[%dma_start3A_92, %dma_start3A_104] : memref<512x50xi32, #tpu.memory_space<vmem>> -> memref<1x50xi32, #tpu.memory_space<vmem>>
    %dma_start3A_106 = tpu.memref_squeeze %dma_start3A_105 : memref<1x50xi32, #tpu.memory_space<vmem>> -> memref<50xi32, #tpu.memory_space<vmem>>
    %dma_start3A_107 = arith.constant 0 : i32
    %dma_start3A_108 = arith.constant 0 : i32
    %dma_start3A_109 = tpu.memref_slice %arg3[%dma_start3A_107, %dma_start3A_108] : memref<1000000x32xf32, #tpu.memory_space<hbm>> -> memref<1000000x32xf32, #tpu.memory_space<hbm>>
    tpu.enqueue_indirect_dma source(%dma_start3A_109 : memref<1000000x32xf32, #tpu.memory_space<hbm>>) target(%dma_start3A_103 : memref<50x32xf32, #tpu.memory_space<vmem>>) offsets(%dma_start3A_106 : memref<50xi32, #tpu.memory_space<vmem>>) semaphore(%arg7 : memref<!tpu.dma_semaphore, #tpu.memory_space<semaphore_mem>>)
    %dma_start3A_110 = arith.constant 6 : i32
    %dma_start3A_111 = arith.constant 0 : i32
    %dma_start3A_112 = arith.constant 6 : i32
    %dma_start3A_113 = arith.constant 0 : i32
    %dma_start3A_114 = arith.constant 0 : i32
    %dma_start3A_115 = arith.constant 0 : i32
    %dma_start3A_116 = tpu.memref_slice %arg6[%dma_start3A_111, %dma_start3A_113, %dma_start3A_114, %dma_start3A_115] : memref<2x8x50x32xf32, #tpu.memory_space<vmem>> -> memref<1x8x50x32xf32, #tpu.memory_space<vmem>>
    %dma_start3A_117 = tpu.memref_squeeze %dma_start3A_116 : memref<1x8x50x32xf32, #tpu.memory_space<vmem>> -> memref<8x50x32xf32, #tpu.memory_space<vmem>>
    %dma_start3A_118 = arith.constant 0 : i32
    %dma_start3A_119 = arith.constant 0 : i32
    %dma_start3A_120 = tpu.memref_slice %dma_start3A_117[%dma_start3A_112, %dma_start3A_118, %dma_start3A_119] : memref<8x50x32xf32, #tpu.memory_space<vmem>> -> memref<1x50x32xf32, #tpu.memory_space<vmem>>
    %dma_start3A_121 = tpu.memref_squeeze %dma_start3A_120 : memref<1x50x32xf32, #tpu.memory_space<vmem>> -> memref<50x32xf32, #tpu.memory_space<vmem>>
    %dma_start3A_122 = arith.constant 0 : i32
    %dma_start3A_123 = tpu.memref_slice %arg5[%dma_start3A_110, %dma_start3A_122] : memref<512x50xi32, #tpu.memory_space<vmem>> -> memref<1x50xi32, #tpu.memory_space<vmem>>
    %dma_start3A_124 = tpu.memref_squeeze %dma_start3A_123 : memref<1x50xi32, #tpu.memory_space<vmem>> -> memref<50xi32, #tpu.memory_space<vmem>>
    %dma_start3A_125 = arith.constant 0 : i32
    %dma_start3A_126 = arith.constant 0 : i32
    %dma_start3A_127 = tpu.memref_slice %arg3[%dma_start3A_125, %dma_start3A_126] : memref<1000000x32xf32, #tpu.memory_space<hbm>> -> memref<1000000x32xf32, #tpu.memory_space<hbm>>
    tpu.enqueue_indirect_dma source(%dma_start3A_127 : memref<1000000x32xf32, #tpu.memory_space<hbm>>) target(%dma_start3A_121 : memref<50x32xf32, #tpu.memory_space<vmem>>) offsets(%dma_start3A_124 : memref<50xi32, #tpu.memory_space<vmem>>) semaphore(%arg7 : memref<!tpu.dma_semaphore, #tpu.memory_space<semaphore_mem>>)
    %dma_start3A_128 = arith.constant 7 : i32
    %dma_start3A_129 = arith.constant 0 : i32
    %dma_start3A_130 = arith.constant 7 : i32
    %dma_start3A_131 = arith.constant 0 : i32
    %dma_start3A_132 = arith.constant 0 : i32
    %dma_start3A_133 = arith.constant 0 : i32
    %dma_start3A_134 = tpu.memref_slice %arg6[%dma_start3A_129, %dma_start3A_131, %dma_start3A_132, %dma_start3A_133] : memref<2x8x50x32xf32, #tpu.memory_space<vmem>> -> memref<1x8x50x32xf32, #tpu.memory_space<vmem>>
    %dma_start3A_135 = tpu.memref_squeeze %dma_start3A_134 : memref<1x8x50x32xf32, #tpu.memory_space<vmem>> -> memref<8x50x32xf32, #tpu.memory_space<vmem>>
    %dma_start3A_136 = arith.constant 0 : i32
    %dma_start3A_137 = arith.constant 0 : i32
    %dma_start3A_138 = tpu.memref_slice %dma_start3A_135[%dma_start3A_130, %dma_start3A_136, %dma_start3A_137] : memref<8x50x32xf32, #tpu.memory_space<vmem>> -> memref<1x50x32xf32, #tpu.memory_space<vmem>>
    %dma_start3A_139 = tpu.memref_squeeze %dma_start3A_138 : memref<1x50x32xf32, #tpu.memory_space<vmem>> -> memref<50x32xf32, #tpu.memory_space<vmem>>
    %dma_start3A_140 = arith.constant 0 : i32
    %dma_start3A_141 = tpu.memref_slice %arg5[%dma_start3A_128, %dma_start3A_140] : memref<512x50xi32, #tpu.memory_space<vmem>> -> memref<1x50xi32, #tpu.memory_space<vmem>>
    %dma_start3A_142 = tpu.memref_squeeze %dma_start3A_141 : memref<1x50xi32, #tpu.memory_space<vmem>> -> memref<50xi32, #tpu.memory_space<vmem>>
    %dma_start3A_143 = arith.constant 0 : i32
    %dma_start3A_144 = arith.constant 0 : i32
    %dma_start3A_145 = tpu.memref_slice %arg3[%dma_start3A_143, %dma_start3A_144] : memref<1000000x32xf32, #tpu.memory_space<hbm>> -> memref<1000000x32xf32, #tpu.memory_space<hbm>>
    tpu.enqueue_indirect_dma source(%dma_start3A_145 : memref<1000000x32xf32, #tpu.memory_space<hbm>>) target(%dma_start3A_139 : memref<50x32xf32, #tpu.memory_space<vmem>>) offsets(%dma_start3A_142 : memref<50xi32, #tpu.memory_space<vmem>>) semaphore(%arg7 : memref<!tpu.dma_semaphore, #tpu.memory_space<semaphore_mem>>)
    %scan3A = arith.constant 0 : i32
    %scan3A_146 = arith.constant 0 : i32
    %scan3A_147 = arith.constant 64 : i32
    %scan3A_148 = arith.addi %scan3A_146, %scan3A_147 : i32
    %scan3A_149 = arith.constant 1 : i32
    scf.for %scan3A_469 = %scan3A_146 to %scan3A_148 step %scan3A_149  : i32 {
      %rem3A_470 = arith.constant 2 : i32
      %rem3A_471 = arith.remsi %scan3A_469, %rem3A_470 : i32
      %mul3A_472 = arith.constant 8 : i32
      %mul3A_473 = arith.muli %scan3A_469, %mul3A_472 : i32
      %add3A_474 = arith.constant 0 : i32
      %add3A_475 = arith.addi %mul3A_473, %add3A_474 : i32
      %dma_wait3A_476 = arith.constant 0 : i32
      %dma_wait3A_477 = arith.constant 0 : i32
      %dma_wait3A_478 = arith.constant 0 : i32
      %dma_wait3A_479 = arith.constant 0 : i32
      %dma_wait3A_480 = tpu.memref_slice %arg6[%rem3A_471, %dma_wait3A_477, %dma_wait3A_478, %dma_wait3A_479] : memref<2x8x50x32xf32, #tpu.memory_space<vmem>> -> memref<1x8x50x32xf32, #tpu.memory_space<vmem>>
      %dma_wait3A_481 = tpu.memref_squeeze %dma_wait3A_480 : memref<1x8x50x32xf32, #tpu.memory_space<vmem>> -> memref<8x50x32xf32, #tpu.memory_space<vmem>>
      %dma_wait3A_482 = arith.constant 0 : i32
      %dma_wait3A_483 = arith.constant 0 : i32
      %dma_wait3A_484 = tpu.memref_slice %dma_wait3A_481[%dma_wait3A_476, %dma_wait3A_482, %dma_wait3A_483] : memref<8x50x32xf32, #tpu.memory_space<vmem>> -> memref<1x50x32xf32, #tpu.memory_space<vmem>>
      %dma_wait3A_485 = tpu.memref_squeeze %dma_wait3A_484 : memref<1x50x32xf32, #tpu.memory_space<vmem>> -> memref<50x32xf32, #tpu.memory_space<vmem>>
      %dma_wait3A_486 = arith.constant 0 : i32
      %dma_wait3A_487 = tpu.memref_slice %arg5[%add3A_475, %dma_wait3A_486] : memref<512x50xi32, #tpu.memory_space<vmem>> -> memref<1x50xi32, #tpu.memory_space<vmem>>
      %dma_wait3A_488 = tpu.memref_squeeze %dma_wait3A_487 : memref<1x50xi32, #tpu.memory_space<vmem>> -> memref<50xi32, #tpu.memory_space<vmem>>
      %dma_wait3A_489 = arith.constant 0 : i32
      %dma_wait3A_490 = arith.constant 0 : i32
      %dma_wait3A_491 = tpu.memref_slice %arg3[%dma_wait3A_489, %dma_wait3A_490] : memref<1000000x32xf32, #tpu.memory_space<hbm>> -> memref<1000000x32xf32, #tpu.memory_space<hbm>>
      tpu.wait_indirect_dma semaphore(%arg7 : memref<!tpu.dma_semaphore, #tpu.memory_space<semaphore_mem>>) src(%dma_wait3A_491 : memref<1000000x32xf32, #tpu.memory_space<hbm>>) dst(%dma_wait3A_485 : memref<50x32xf32, #tpu.memory_space<vmem>>)
      %mul3A_492 = arith.constant 8 : i32
      %mul3A_493 = arith.muli %scan3A_469, %mul3A_492 : i32
      %add3A_494 = arith.constant 1 : i32
      %add3A_495 = arith.addi %mul3A_493, %add3A_494 : i32
      %dma_wait3A_496 = arith.constant 1 : i32
      %dma_wait3A_497 = arith.constant 0 : i32
      %dma_wait3A_498 = arith.constant 0 : i32
      %dma_wait3A_499 = arith.constant 0 : i32
      %dma_wait3A_500 = tpu.memref_slice %arg6[%rem3A_471, %dma_wait3A_497, %dma_wait3A_498, %dma_wait3A_499] : memref<2x8x50x32xf32, #tpu.memory_space<vmem>> -> memref<1x8x50x32xf32, #tpu.memory_space<vmem>>
      %dma_wait3A_501 = tpu.memref_squeeze %dma_wait3A_500 : memref<1x8x50x32xf32, #tpu.memory_space<vmem>> -> memref<8x50x32xf32, #tpu.memory_space<vmem>>
      %dma_wait3A_502 = arith.constant 0 : i32
      %dma_wait3A_503 = arith.constant 0 : i32
      %dma_wait3A_504 = tpu.memref_slice %dma_wait3A_501[%dma_wait3A_496, %dma_wait3A_502, %dma_wait3A_503] : memref<8x50x32xf32, #tpu.memory_space<vmem>> -> memref<1x50x32xf32, #tpu.memory_space<vmem>>
      %dma_wait3A_505 = tpu.memref_squeeze %dma_wait3A_504 : memref<1x50x32xf32, #tpu.memory_space<vmem>> -> memref<50x32xf32, #tpu.memory_space<vmem>>
      %dma_wait3A_506 = arith.constant 0 : i32
      %dma_wait3A_507 = tpu.memref_slice %arg5[%add3A_495, %dma_wait3A_506] : memref<512x50xi32, #tpu.memory_space<vmem>> -> memref<1x50xi32, #tpu.memory_space<vmem>>
      %dma_wait3A_508 = tpu.memref_squeeze %dma_wait3A_507 : memref<1x50xi32, #tpu.memory_space<vmem>> -> memref<50xi32, #tpu.memory_space<vmem>>
      %dma_wait3A_509 = arith.constant 0 : i32
      %dma_wait3A_510 = arith.constant 0 : i32
      %dma_wait3A_511 = tpu.memref_slice %arg3[%dma_wait3A_509, %dma_wait3A_510] : memref<1000000x32xf32, #tpu.memory_space<hbm>> -> memref<1000000x32xf32, #tpu.memory_space<hbm>>
      tpu.wait_indirect_dma semaphore(%arg7 : memref<!tpu.dma_semaphore, #tpu.memory_space<semaphore_mem>>) src(%dma_wait3A_511 : memref<1000000x32xf32, #tpu.memory_space<hbm>>) dst(%dma_wait3A_505 : memref<50x32xf32, #tpu.memory_space<vmem>>)
      %mul3A_512 = arith.constant 8 : i32
      %mul3A_513 = arith.muli %scan3A_469, %mul3A_512 : i32
      %add3A_514 = arith.constant 2 : i32
      %add3A_515 = arith.addi %mul3A_513, %add3A_514 : i32
      %dma_wait3A_516 = arith.constant 2 : i32
      %dma_wait3A_517 = arith.constant 0 : i32
      %dma_wait3A_518 = arith.constant 0 : i32
      %dma_wait3A_519 = arith.constant 0 : i32
      %dma_wait3A_520 = tpu.memref_slice %arg6[%rem3A_471, %dma_wait3A_517, %dma_wait3A_518, %dma_wait3A_519] : memref<2x8x50x32xf32, #tpu.memory_space<vmem>> -> memref<1x8x50x32xf32, #tpu.memory_space<vmem>>
      %dma_wait3A_521 = tpu.memref_squeeze %dma_wait3A_520 : memref<1x8x50x32xf32, #tpu.memory_space<vmem>> -> memref<8x50x32xf32, #tpu.memory_space<vmem>>
      %dma_wait3A_522 = arith.constant 0 : i32
      %dma_wait3A_523 = arith.constant 0 : i32
      %dma_wait3A_524 = tpu.memref_slice %dma_wait3A_521[%dma_wait3A_516, %dma_wait3A_522, %dma_wait3A_523] : memref<8x50x32xf32, #tpu.memory_space<vmem>> -> memref<1x50x32xf32, #tpu.memory_space<vmem>>
      %dma_wait3A_525 = tpu.memref_squeeze %dma_wait3A_524 : memref<1x50x32xf32, #tpu.memory_space<vmem>> -> memref<50x32xf32, #tpu.memory_space<vmem>>
      %dma_wait3A_526 = arith.constant 0 : i32
      %dma_wait3A_527 = tpu.memref_slice %arg5[%add3A_515, %dma_wait3A_526] : memref<512x50xi32, #tpu.memory_space<vmem>> -> memref<1x50xi32, #tpu.memory_space<vmem>>
      %dma_wait3A_528 = tpu.memref_squeeze %dma_wait3A_527 : memref<1x50xi32, #tpu.memory_space<vmem>> -> memref<50xi32, #tpu.memory_space<vmem>>
      %dma_wait3A_529 = arith.constant 0 : i32
      %dma_wait3A_530 = arith.constant 0 : i32
      %dma_wait3A_531 = tpu.memref_slice %arg3[%dma_wait3A_529, %dma_wait3A_530] : memref<1000000x32xf32, #tpu.memory_space<hbm>> -> memref<1000000x32xf32, #tpu.memory_space<hbm>>
      tpu.wait_indirect_dma semaphore(%arg7 : memref<!tpu.dma_semaphore, #tpu.memory_space<semaphore_mem>>) src(%dma_wait3A_531 : memref<1000000x32xf32, #tpu.memory_space<hbm>>) dst(%dma_wait3A_525 : memref<50x32xf32, #tpu.memory_space<vmem>>)
      %mul3A_532 = arith.constant 8 : i32
      %mul3A_533 = arith.muli %scan3A_469, %mul3A_532 : i32
      %add3A_534 = arith.constant 3 : i32
      %add3A_535 = arith.addi %mul3A_533, %add3A_534 : i32
      %dma_wait3A_536 = arith.constant 3 : i32
      %dma_wait3A_537 = arith.constant 0 : i32
      %dma_wait3A_538 = arith.constant 0 : i32
      %dma_wait3A_539 = arith.constant 0 : i32
      %dma_wait3A_540 = tpu.memref_slice %arg6[%rem3A_471, %dma_wait3A_537, %dma_wait3A_538, %dma_wait3A_539] : memref<2x8x50x32xf32, #tpu.memory_space<vmem>> -> memref<1x8x50x32xf32, #tpu.memory_space<vmem>>
      %dma_wait3A_541 = tpu.memref_squeeze %dma_wait3A_540 : memref<1x8x50x32xf32, #tpu.memory_space<vmem>> -> memref<8x50x32xf32, #tpu.memory_space<vmem>>
      %dma_wait3A_542 = arith.constant 0 : i32
      %dma_wait3A_543 = arith.constant 0 : i32
      %dma_wait3A_544 = tpu.memref_slice %dma_wait3A_541[%dma_wait3A_536, %dma_wait3A_542, %dma_wait3A_543] : memref<8x50x32xf32, #tpu.memory_space<vmem>> -> memref<1x50x32xf32, #tpu.memory_space<vmem>>
      %dma_wait3A_545 = tpu.memref_squeeze %dma_wait3A_544 : memref<1x50x32xf32, #tpu.memory_space<vmem>> -> memref<50x32xf32, #tpu.memory_space<vmem>>
      %dma_wait3A_546 = arith.constant 0 : i32
      %dma_wait3A_547 = tpu.memref_slice %arg5[%add3A_535, %dma_wait3A_546] : memref<512x50xi32, #tpu.memory_space<vmem>> -> memref<1x50xi32, #tpu.memory_space<vmem>>
      %dma_wait3A_548 = tpu.memref_squeeze %dma_wait3A_547 : memref<1x50xi32, #tpu.memory_space<vmem>> -> memref<50xi32, #tpu.memory_space<vmem>>
      %dma_wait3A_549 = arith.constant 0 : i32
      %dma_wait3A_550 = arith.constant 0 : i32
      %dma_wait3A_551 = tpu.memref_slice %arg3[%dma_wait3A_549, %dma_wait3A_550] : memref<1000000x32xf32, #tpu.memory_space<hbm>> -> memref<1000000x32xf32, #tpu.memory_space<hbm>>
      tpu.wait_indirect_dma semaphore(%arg7 : memref<!tpu.dma_semaphore, #tpu.memory_space<semaphore_mem>>) src(%dma_wait3A_551 : memref<1000000x32xf32, #tpu.memory_space<hbm>>) dst(%dma_wait3A_545 : memref<50x32xf32, #tpu.memory_space<vmem>>)
      %mul3A_552 = arith.constant 8 : i32
      %mul3A_553 = arith.muli %scan3A_469, %mul3A_552 : i32
      %add3A_554 = arith.constant 4 : i32
      %add3A_555 = arith.addi %mul3A_553, %add3A_554 : i32
      %dma_wait3A_556 = arith.constant 4 : i32
      %dma_wait3A_557 = arith.constant 0 : i32
      %dma_wait3A_558 = arith.constant 0 : i32
      %dma_wait3A_559 = arith.constant 0 : i32
      %dma_wait3A_560 = tpu.memref_slice %arg6[%rem3A_471, %dma_wait3A_557, %dma_wait3A_558, %dma_wait3A_559] : memref<2x8x50x32xf32, #tpu.memory_space<vmem>> -> memref<1x8x50x32xf32, #tpu.memory_space<vmem>>
      %dma_wait3A_561 = tpu.memref_squeeze %dma_wait3A_560 : memref<1x8x50x32xf32, #tpu.memory_space<vmem>> -> memref<8x50x32xf32, #tpu.memory_space<vmem>>
      %dma_wait3A_562 = arith.constant 0 : i32
      %dma_wait3A_563 = arith.constant 0 : i32
      %dma_wait3A_564 = tpu.memref_slice %dma_wait3A_561[%dma_wait3A_556, %dma_wait3A_562, %dma_wait3A_563] : memref<8x50x32xf32, #tpu.memory_space<vmem>> -> memref<1x50x32xf32, #tpu.memory_space<vmem>>
      %dma_wait3A_565 = tpu.memref_squeeze %dma_wait3A_564 : memref<1x50x32xf32, #tpu.memory_space<vmem>> -> memref<50x32xf32, #tpu.memory_space<vmem>>
      %dma_wait3A_566 = arith.constant 0 : i32
      %dma_wait3A_567 = tpu.memref_slice %arg5[%add3A_555, %dma_wait3A_566] : memref<512x50xi32, #tpu.memory_space<vmem>> -> memref<1x50xi32, #tpu.memory_space<vmem>>
      %dma_wait3A_568 = tpu.memref_squeeze %dma_wait3A_567 : memref<1x50xi32, #tpu.memory_space<vmem>> -> memref<50xi32, #tpu.memory_space<vmem>>
      %dma_wait3A_569 = arith.constant 0 : i32
      %dma_wait3A_570 = arith.constant 0 : i32
      %dma_wait3A_571 = tpu.memref_slice %arg3[%dma_wait3A_569, %dma_wait3A_570] : memref<1000000x32xf32, #tpu.memory_space<hbm>> -> memref<1000000x32xf32, #tpu.memory_space<hbm>>
      tpu.wait_indirect_dma semaphore(%arg7 : memref<!tpu.dma_semaphore, #tpu.memory_space<semaphore_mem>>) src(%dma_wait3A_571 : memref<1000000x32xf32, #tpu.memory_space<hbm>>) dst(%dma_wait3A_565 : memref<50x32xf32, #tpu.memory_space<vmem>>)
      %mul3A_572 = arith.constant 8 : i32
      %mul3A_573 = arith.muli %scan3A_469, %mul3A_572 : i32
      %add3A_574 = arith.constant 5 : i32
      %add3A_575 = arith.addi %mul3A_573, %add3A_574 : i32
      %dma_wait3A_576 = arith.constant 5 : i32
      %dma_wait3A_577 = arith.constant 0 : i32
      %dma_wait3A_578 = arith.constant 0 : i32
      %dma_wait3A_579 = arith.constant 0 : i32
      %dma_wait3A_580 = tpu.memref_slice %arg6[%rem3A_471, %dma_wait3A_577, %dma_wait3A_578, %dma_wait3A_579] : memref<2x8x50x32xf32, #tpu.memory_space<vmem>> -> memref<1x8x50x32xf32, #tpu.memory_space<vmem>>
      %dma_wait3A_581 = tpu.memref_squeeze %dma_wait3A_580 : memref<1x8x50x32xf32, #tpu.memory_space<vmem>> -> memref<8x50x32xf32, #tpu.memory_space<vmem>>
      %dma_wait3A_582 = arith.constant 0 : i32
      %dma_wait3A_583 = arith.constant 0 : i32
      %dma_wait3A_584 = tpu.memref_slice %dma_wait3A_581[%dma_wait3A_576, %dma_wait3A_582, %dma_wait3A_583] : memref<8x50x32xf32, #tpu.memory_space<vmem>> -> memref<1x50x32xf32, #tpu.memory_space<vmem>>
      %dma_wait3A_585 = tpu.memref_squeeze %dma_wait3A_584 : memref<1x50x32xf32, #tpu.memory_space<vmem>> -> memref<50x32xf32, #tpu.memory_space<vmem>>
      %dma_wait3A_586 = arith.constant 0 : i32
      %dma_wait3A_587 = tpu.memref_slice %arg5[%add3A_575, %dma_wait3A_586] : memref<512x50xi32, #tpu.memory_space<vmem>> -> memref<1x50xi32, #tpu.memory_space<vmem>>
      %dma_wait3A_588 = tpu.memref_squeeze %dma_wait3A_587 : memref<1x50xi32, #tpu.memory_space<vmem>> -> memref<50xi32, #tpu.memory_space<vmem>>
      %dma_wait3A_589 = arith.constant 0 : i32
      %dma_wait3A_590 = arith.constant 0 : i32
      %dma_wait3A_591 = tpu.memref_slice %arg3[%dma_wait3A_589, %dma_wait3A_590] : memref<1000000x32xf32, #tpu.memory_space<hbm>> -> memref<1000000x32xf32, #tpu.memory_space<hbm>>
      tpu.wait_indirect_dma semaphore(%arg7 : memref<!tpu.dma_semaphore, #tpu.memory_space<semaphore_mem>>) src(%dma_wait3A_591 : memref<1000000x32xf32, #tpu.memory_space<hbm>>) dst(%dma_wait3A_585 : memref<50x32xf32, #tpu.memory_space<vmem>>)
      %mul3A_592 = arith.constant 8 : i32
      %mul3A_593 = arith.muli %scan3A_469, %mul3A_592 : i32
      %add3A_594 = arith.constant 6 : i32
      %add3A_595 = arith.addi %mul3A_593, %add3A_594 : i32
      %dma_wait3A_596 = arith.constant 6 : i32
      %dma_wait3A_597 = arith.constant 0 : i32
      %dma_wait3A_598 = arith.constant 0 : i32
      %dma_wait3A_599 = arith.constant 0 : i32
      %dma_wait3A_600 = tpu.memref_slice %arg6[%rem3A_471, %dma_wait3A_597, %dma_wait3A_598, %dma_wait3A_599] : memref<2x8x50x32xf32, #tpu.memory_space<vmem>> -> memref<1x8x50x32xf32, #tpu.memory_space<vmem>>
      %dma_wait3A_601 = tpu.memref_squeeze %dma_wait3A_600 : memref<1x8x50x32xf32, #tpu.memory_space<vmem>> -> memref<8x50x32xf32, #tpu.memory_space<vmem>>
      %dma_wait3A_602 = arith.constant 0 : i32
      %dma_wait3A_603 = arith.constant 0 : i32
      %dma_wait3A_604 = tpu.memref_slice %dma_wait3A_601[%dma_wait3A_596, %dma_wait3A_602, %dma_wait3A_603] : memref<8x50x32xf32, #tpu.memory_space<vmem>> -> memref<1x50x32xf32, #tpu.memory_space<vmem>>
      %dma_wait3A_605 = tpu.memref_squeeze %dma_wait3A_604 : memref<1x50x32xf32, #tpu.memory_space<vmem>> -> memref<50x32xf32, #tpu.memory_space<vmem>>
      %dma_wait3A_606 = arith.constant 0 : i32
      %dma_wait3A_607 = tpu.memref_slice %arg5[%add3A_595, %dma_wait3A_606] : memref<512x50xi32, #tpu.memory_space<vmem>> -> memref<1x50xi32, #tpu.memory_space<vmem>>
      %dma_wait3A_608 = tpu.memref_squeeze %dma_wait3A_607 : memref<1x50xi32, #tpu.memory_space<vmem>> -> memref<50xi32, #tpu.memory_space<vmem>>
      %dma_wait3A_609 = arith.constant 0 : i32
      %dma_wait3A_610 = arith.constant 0 : i32
      %dma_wait3A_611 = tpu.memref_slice %arg3[%dma_wait3A_609, %dma_wait3A_610] : memref<1000000x32xf32, #tpu.memory_space<hbm>> -> memref<1000000x32xf32, #tpu.memory_space<hbm>>
      tpu.wait_indirect_dma semaphore(%arg7 : memref<!tpu.dma_semaphore, #tpu.memory_space<semaphore_mem>>) src(%dma_wait3A_611 : memref<1000000x32xf32, #tpu.memory_space<hbm>>) dst(%dma_wait3A_605 : memref<50x32xf32, #tpu.memory_space<vmem>>)
      %mul3A_612 = arith.constant 8 : i32
      %mul3A_613 = arith.muli %scan3A_469, %mul3A_612 : i32
      %add3A_614 = arith.constant 7 : i32
      %add3A_615 = arith.addi %mul3A_613, %add3A_614 : i32
      %dma_wait3A_616 = arith.constant 7 : i32
      %dma_wait3A_617 = arith.constant 0 : i32
      %dma_wait3A_618 = arith.constant 0 : i32
      %dma_wait3A_619 = arith.constant 0 : i32
      %dma_wait3A_620 = tpu.memref_slice %arg6[%rem3A_471, %dma_wait3A_617, %dma_wait3A_618, %dma_wait3A_619] : memref<2x8x50x32xf32, #tpu.memory_space<vmem>> -> memref<1x8x50x32xf32, #tpu.memory_space<vmem>>
      %dma_wait3A_621 = tpu.memref_squeeze %dma_wait3A_620 : memref<1x8x50x32xf32, #tpu.memory_space<vmem>> -> memref<8x50x32xf32, #tpu.memory_space<vmem>>
      %dma_wait3A_622 = arith.constant 0 : i32
      %dma_wait3A_623 = arith.constant 0 : i32
      %dma_wait3A_624 = tpu.memref_slice %dma_wait3A_621[%dma_wait3A_616, %dma_wait3A_622, %dma_wait3A_623] : memref<8x50x32xf32, #tpu.memory_space<vmem>> -> memref<1x50x32xf32, #tpu.memory_space<vmem>>
      %dma_wait3A_625 = tpu.memref_squeeze %dma_wait3A_624 : memref<1x50x32xf32, #tpu.memory_space<vmem>> -> memref<50x32xf32, #tpu.memory_space<vmem>>
      %dma_wait3A_626 = arith.constant 0 : i32
      %dma_wait3A_627 = tpu.memref_slice %arg5[%add3A_615, %dma_wait3A_626] : memref<512x50xi32, #tpu.memory_space<vmem>> -> memref<1x50xi32, #tpu.memory_space<vmem>>
      %dma_wait3A_628 = tpu.memref_squeeze %dma_wait3A_627 : memref<1x50xi32, #tpu.memory_space<vmem>> -> memref<50xi32, #tpu.memory_space<vmem>>
      %dma_wait3A_629 = arith.constant 0 : i32
      %dma_wait3A_630 = arith.constant 0 : i32
      %dma_wait3A_631 = tpu.memref_slice %arg3[%dma_wait3A_629, %dma_wait3A_630] : memref<1000000x32xf32, #tpu.memory_space<hbm>> -> memref<1000000x32xf32, #tpu.memory_space<hbm>>
      tpu.wait_indirect_dma semaphore(%arg7 : memref<!tpu.dma_semaphore, #tpu.memory_space<semaphore_mem>>) src(%dma_wait3A_631 : memref<1000000x32xf32, #tpu.memory_space<hbm>>) dst(%dma_wait3A_625 : memref<50x32xf32, #tpu.memory_space<vmem>>)
      %ge3A = arith.constant 1 : i32
      %ge3A_632 = arith.cmpi sge, %scan3A_469, %ge3A : i32
      %convert_element_type3A = arith.extui %ge3A_632 : i1 to i32
      %cond3A = arith.constant 0 : i32
      %cond3A_633 = arith.cmpi ne, %convert_element_type3A, %cond3A : i32
      scf.if %cond3A_633 {
        %sub3A = arith.constant 1 : i32
        %sub3A_944 = arith.subi %scan3A_469, %sub3A : i32
        %sub3A_945 = arith.constant 1 : i32
        %sub3A_946 = arith.subi %sub3A_945, %rem3A_471 : i32
        %mul3A_947 = arith.constant 8 : i32
        %mul3A_948 = arith.muli %sub3A_944, %mul3A_947 : i32
        %add3A_949 = arith.addi %mul3A_2, %mul3A_948 : i32
        %add3A_950 = arith.constant 0 : i32
        %add3A_951 = arith.addi %add3A_949, %add3A_950 : i32
        %dma_wait3A_952 = arith.constant 0 : i32
        %dma_wait3A_953 = arith.constant 0 : i32
        %dma_wait3A_954 = arith.constant 0 : i32
        %dma_wait3A_955 = arith.constant 0 : i32
        %dma_wait3A_956 = tpu.memref_slice %arg6[%sub3A_946, %dma_wait3A_953, %dma_wait3A_954, %dma_wait3A_955] : memref<2x8x50x32xf32, #tpu.memory_space<vmem>> -> memref<1x8x50x32xf32, #tpu.memory_space<vmem>>
        %dma_wait3A_957 = tpu.memref_squeeze %dma_wait3A_956 : memref<1x8x50x32xf32, #tpu.memory_space<vmem>> -> memref<8x50x32xf32, #tpu.memory_space<vmem>>
        %dma_wait3A_958 = arith.constant 0 : i32
        %dma_wait3A_959 = arith.constant 0 : i32
        %dma_wait3A_960 = tpu.memref_slice %dma_wait3A_957[%dma_wait3A_952, %dma_wait3A_958, %dma_wait3A_959] : memref<8x50x32xf32, #tpu.memory_space<vmem>> -> memref<1x50x32xf32, #tpu.memory_space<vmem>>
        %dma_wait3A_961 = tpu.memref_squeeze %dma_wait3A_960 : memref<1x50x32xf32, #tpu.memory_space<vmem>> -> memref<50x32xf32, #tpu.memory_space<vmem>>
        %dma_wait3A_962 = arith.constant 0 : i32
        %dma_wait3A_963 = arith.constant 0 : i32
        %dma_wait3A_964 = tpu.memref_slice %arg4[%add3A_951, %dma_wait3A_962, %dma_wait3A_963] : memref<16384x56x128xf32, #tpu.memory_space<hbm>> -> memref<1x56x128xf32, #tpu.memory_space<hbm>>
        %dma_wait3A_965 = tpu.memref_squeeze %dma_wait3A_964 : memref<1x56x128xf32, #tpu.memory_space<hbm>> -> memref<56x128xf32, #tpu.memory_space<hbm>>
        %dma_wait3A_966 = arith.constant 0 : i32
        %dma_wait3A_967 = arith.constant 0 : i32
        %dma_wait3A_968 = tpu.memref_slice %dma_wait3A_965[%dma_wait3A_966, %dma_wait3A_967] : memref<56x128xf32, #tpu.memory_space<hbm>> -> memref<50x32xf32, #tpu.memory_space<hbm>>
        %dma_wait3A_969 = arith.constant 0 : i32
        %dma_wait3A_970 = arith.constant 0 : i32
        %dma_wait3A_971 = tpu.memref_slice %arg4[%add3A_951, %dma_wait3A_969, %dma_wait3A_970] : memref<16384x56x128xf32, #tpu.memory_space<hbm>> -> memref<1x56x128xf32, #tpu.memory_space<hbm>>
        %dma_wait3A_972 = tpu.memref_squeeze %dma_wait3A_971 : memref<1x56x128xf32, #tpu.memory_space<hbm>> -> memref<56x128xf32, #tpu.memory_space<hbm>>
        %dma_wait3A_973 = arith.constant 0 : i32
        %dma_wait3A_974 = arith.constant 0 : i32
        %dma_wait3A_975 = tpu.memref_slice %dma_wait3A_972[%dma_wait3A_973, %dma_wait3A_974] : memref<56x128xf32, #tpu.memory_space<hbm>> -> memref<50x32xf32, #tpu.memory_space<hbm>>
        %dma_wait3A_976 = arith.constant 0 : i32
        %dma_wait3A_977 = arith.constant 0 : i32
        %dma_wait3A_978 = arith.constant 0 : i32
        %dma_wait3A_979 = tpu.memref_slice %arg6[%sub3A_946, %dma_wait3A_976, %dma_wait3A_977, %dma_wait3A_978] : memref<2x8x50x32xf32, #tpu.memory_space<vmem>> -> memref<1x8x50x32xf32, #tpu.memory_space<vmem>>
        %dma_wait3A_980 = tpu.memref_squeeze %dma_wait3A_979 : memref<1x8x50x32xf32, #tpu.memory_space<vmem>> -> memref<8x50x32xf32, #tpu.memory_space<vmem>>
        %dma_wait3A_981 = arith.constant 0 : i32
        %dma_wait3A_982 = arith.constant 0 : i32
        %dma_wait3A_983 = tpu.memref_slice %dma_wait3A_980[%dma_wait3A_952, %dma_wait3A_981, %dma_wait3A_982] : memref<8x50x32xf32, #tpu.memory_space<vmem>> -> memref<1x50x32xf32, #tpu.memory_space<vmem>>
        %dma_wait3A_984 = tpu.memref_squeeze %dma_wait3A_983 : memref<1x50x32xf32, #tpu.memory_space<vmem>> -> memref<50x32xf32, #tpu.memory_space<vmem>>
        tpu.wait_dma2 semaphore(%arg8 : memref<!tpu.dma_semaphore, #tpu.memory_space<semaphore_mem>>) src(%dma_wait3A_984 : memref<50x32xf32, #tpu.memory_space<vmem>>) dst(%dma_wait3A_975 : memref<50x32xf32, #tpu.memory_space<hbm>>)
        %sub3A_985 = arith.constant 1 : i32
        %sub3A_986 = arith.subi %scan3A_469, %sub3A_985 : i32
        %sub3A_987 = arith.constant 1 : i32
        %sub3A_988 = arith.subi %sub3A_987, %rem3A_471 : i32
        %mul3A_989 = arith.constant 8 : i32
        %mul3A_990 = arith.muli %sub3A_986, %mul3A_989 : i32
        %add3A_991 = arith.addi %mul3A_2, %mul3A_990 : i32
        %add3A_992 = arith.constant 1 : i32
        %add3A_993 = arith.addi %add3A_991, %add3A_992 : i32
        %dma_wait3A_994 = arith.constant 1 : i32
        %dma_wait3A_995 = arith.constant 0 : i32
        %dma_wait3A_996 = arith.constant 0 : i32
        %dma_wait3A_997 = arith.constant 0 : i32
        %dma_wait3A_998 = tpu.memref_slice %arg6[%sub3A_988, %dma_wait3A_995, %dma_wait3A_996, %dma_wait3A_997] : memref<2x8x50x32xf32, #tpu.memory_space<vmem>> -> memref<1x8x50x32xf32, #tpu.memory_space<vmem>>
        %dma_wait3A_999 = tpu.memref_squeeze %dma_wait3A_998 : memref<1x8x50x32xf32, #tpu.memory_space<vmem>> -> memref<8x50x32xf32, #tpu.memory_space<vmem>>
        %dma_wait3A_1000 = arith.constant 0 : i32
        %dma_wait3A_1001 = arith.constant 0 : i32
        %dma_wait3A_1002 = tpu.memref_slice %dma_wait3A_999[%dma_wait3A_994, %dma_wait3A_1000, %dma_wait3A_1001] : memref<8x50x32xf32, #tpu.memory_space<vmem>> -> memref<1x50x32xf32, #tpu.memory_space<vmem>>
        %dma_wait3A_1003 = tpu.memref_squeeze %dma_wait3A_1002 : memref<1x50x32xf32, #tpu.memory_space<vmem>> -> memref<50x32xf32, #tpu.memory_space<vmem>>
        %dma_wait3A_1004 = arith.constant 0 : i32
        %dma_wait3A_1005 = arith.constant 0 : i32
        %dma_wait3A_1006 = tpu.memref_slice %arg4[%add3A_993, %dma_wait3A_1004, %dma_wait3A_1005] : memref<16384x56x128xf32, #tpu.memory_space<hbm>> -> memref<1x56x128xf32, #tpu.memory_space<hbm>>
        %dma_wait3A_1007 = tpu.memref_squeeze %dma_wait3A_1006 : memref<1x56x128xf32, #tpu.memory_space<hbm>> -> memref<56x128xf32, #tpu.memory_space<hbm>>
        %dma_wait3A_1008 = arith.constant 0 : i32
        %dma_wait3A_1009 = arith.constant 0 : i32
        %dma_wait3A_1010 = tpu.memref_slice %dma_wait3A_1007[%dma_wait3A_1008, %dma_wait3A_1009] : memref<56x128xf32, #tpu.memory_space<hbm>> -> memref<50x32xf32, #tpu.memory_space<hbm>>
        %dma_wait3A_1011 = arith.constant 0 : i32
        %dma_wait3A_1012 = arith.constant 0 : i32
        %dma_wait3A_1013 = tpu.memref_slice %arg4[%add3A_993, %dma_wait3A_1011, %dma_wait3A_1012] : memref<16384x56x128xf32, #tpu.memory_space<hbm>> -> memref<1x56x128xf32, #tpu.memory_space<hbm>>
        %dma_wait3A_1014 = tpu.memref_squeeze %dma_wait3A_1013 : memref<1x56x128xf32, #tpu.memory_space<hbm>> -> memref<56x128xf32, #tpu.memory_space<hbm>>
        %dma_wait3A_1015 = arith.constant 0 : i32
        %dma_wait3A_1016 = arith.constant 0 : i32
        %dma_wait3A_1017 = tpu.memref_slice %dma_wait3A_1014[%dma_wait3A_1015, %dma_wait3A_1016] : memref<56x128xf32, #tpu.memory_space<hbm>> -> memref<50x32xf32, #tpu.memory_space<hbm>>
        %dma_wait3A_1018 = arith.constant 0 : i32
        %dma_wait3A_1019 = arith.constant 0 : i32
        %dma_wait3A_1020 = arith.constant 0 : i32
        %dma_wait3A_1021 = tpu.memref_slice %arg6[%sub3A_988, %dma_wait3A_1018, %dma_wait3A_1019, %dma_wait3A_1020] : memref<2x8x50x32xf32, #tpu.memory_space<vmem>> -> memref<1x8x50x32xf32, #tpu.memory_space<vmem>>
        %dma_wait3A_1022 = tpu.memref_squeeze %dma_wait3A_1021 : memref<1x8x50x32xf32, #tpu.memory_space<vmem>> -> memref<8x50x32xf32, #tpu.memory_space<vmem>>
        %dma_wait3A_1023 = arith.constant 0 : i32
        %dma_wait3A_1024 = arith.constant 0 : i32
        %dma_wait3A_1025 = tpu.memref_slice %dma_wait3A_1022[%dma_wait3A_994, %dma_wait3A_1023, %dma_wait3A_1024] : memref<8x50x32xf32, #tpu.memory_space<vmem>> -> memref<1x50x32xf32, #tpu.memory_space<vmem>>
        %dma_wait3A_1026 = tpu.memref_squeeze %dma_wait3A_1025 : memref<1x50x32xf32, #tpu.memory_space<vmem>> -> memref<50x32xf32, #tpu.memory_space<vmem>>
        tpu.wait_dma2 semaphore(%arg8 : memref<!tpu.dma_semaphore, #tpu.memory_space<semaphore_mem>>) src(%dma_wait3A_1026 : memref<50x32xf32, #tpu.memory_space<vmem>>) dst(%dma_wait3A_1017 : memref<50x32xf32, #tpu.memory_space<hbm>>)
        %sub3A_1027 = arith.constant 1 : i32
        %sub3A_1028 = arith.subi %scan3A_469, %sub3A_1027 : i32
        %sub3A_1029 = arith.constant 1 : i32
        %sub3A_1030 = arith.subi %sub3A_1029, %rem3A_471 : i32
        %mul3A_1031 = arith.constant 8 : i32
        %mul3A_1032 = arith.muli %sub3A_1028, %mul3A_1031 : i32
        %add3A_1033 = arith.addi %mul3A_2, %mul3A_1032 : i32
        %add3A_1034 = arith.constant 2 : i32
        %add3A_1035 = arith.addi %add3A_1033, %add3A_1034 : i32
        %dma_wait3A_1036 = arith.constant 2 : i32
        %dma_wait3A_1037 = arith.constant 0 : i32
        %dma_wait3A_1038 = arith.constant 0 : i32
        %dma_wait3A_1039 = arith.constant 0 : i32
        %dma_wait3A_1040 = tpu.memref_slice %arg6[%sub3A_1030, %dma_wait3A_1037, %dma_wait3A_1038, %dma_wait3A_1039] : memref<2x8x50x32xf32, #tpu.memory_space<vmem>> -> memref<1x8x50x32xf32, #tpu.memory_space<vmem>>
        %dma_wait3A_1041 = tpu.memref_squeeze %dma_wait3A_1040 : memref<1x8x50x32xf32, #tpu.memory_space<vmem>> -> memref<8x50x32xf32, #tpu.memory_space<vmem>>
        %dma_wait3A_1042 = arith.constant 0 : i32
        %dma_wait3A_1043 = arith.constant 0 : i32
        %dma_wait3A_1044 = tpu.memref_slice %dma_wait3A_1041[%dma_wait3A_1036, %dma_wait3A_1042, %dma_wait3A_1043] : memref<8x50x32xf32, #tpu.memory_space<vmem>> -> memref<1x50x32xf32, #tpu.memory_space<vmem>>
        %dma_wait3A_1045 = tpu.memref_squeeze %dma_wait3A_1044 : memref<1x50x32xf32, #tpu.memory_space<vmem>> -> memref<50x32xf32, #tpu.memory_space<vmem>>
        %dma_wait3A_1046 = arith.constant 0 : i32
        %dma_wait3A_1047 = arith.constant 0 : i32
        %dma_wait3A_1048 = tpu.memref_slice %arg4[%add3A_1035, %dma_wait3A_1046, %dma_wait3A_1047] : memref<16384x56x128xf32, #tpu.memory_space<hbm>> -> memref<1x56x128xf32, #tpu.memory_space<hbm>>
        %dma_wait3A_1049 = tpu.memref_squeeze %dma_wait3A_1048 : memref<1x56x128xf32, #tpu.memory_space<hbm>> -> memref<56x128xf32, #tpu.memory_space<hbm>>
        %dma_wait3A_1050 = arith.constant 0 : i32
        %dma_wait3A_1051 = arith.constant 0 : i32
        %dma_wait3A_1052 = tpu.memref_slice %dma_wait3A_1049[%dma_wait3A_1050, %dma_wait3A_1051] : memref<56x128xf32, #tpu.memory_space<hbm>> -> memref<50x32xf32, #tpu.memory_space<hbm>>
        %dma_wait3A_1053 = arith.constant 0 : i32
        %dma_wait3A_1054 = arith.constant 0 : i32
        %dma_wait3A_1055 = tpu.memref_slice %arg4[%add3A_1035, %dma_wait3A_1053, %dma_wait3A_1054] : memref<16384x56x128xf32, #tpu.memory_space<hbm>> -> memref<1x56x128xf32, #tpu.memory_space<hbm>>
        %dma_wait3A_1056 = tpu.memref_squeeze %dma_wait3A_1055 : memref<1x56x128xf32, #tpu.memory_space<hbm>> -> memref<56x128xf32, #tpu.memory_space<hbm>>
        %dma_wait3A_1057 = arith.constant 0 : i32
        %dma_wait3A_1058 = arith.constant 0 : i32
        %dma_wait3A_1059 = tpu.memref_slice %dma_wait3A_1056[%dma_wait3A_1057, %dma_wait3A_1058] : memref<56x128xf32, #tpu.memory_space<hbm>> -> memref<50x32xf32, #tpu.memory_space<hbm>>
        %dma_wait3A_1060 = arith.constant 0 : i32
        %dma_wait3A_1061 = arith.constant 0 : i32
        %dma_wait3A_1062 = arith.constant 0 : i32
        %dma_wait3A_1063 = tpu.memref_slice %arg6[%sub3A_1030, %dma_wait3A_1060, %dma_wait3A_1061, %dma_wait3A_1062] : memref<2x8x50x32xf32, #tpu.memory_space<vmem>> -> memref<1x8x50x32xf32, #tpu.memory_space<vmem>>
        %dma_wait3A_1064 = tpu.memref_squeeze %dma_wait3A_1063 : memref<1x8x50x32xf32, #tpu.memory_space<vmem>> -> memref<8x50x32xf32, #tpu.memory_space<vmem>>
        %dma_wait3A_1065 = arith.constant 0 : i32
        %dma_wait3A_1066 = arith.constant 0 : i32
        %dma_wait3A_1067 = tpu.memref_slice %dma_wait3A_1064[%dma_wait3A_1036, %dma_wait3A_1065, %dma_wait3A_1066] : memref<8x50x32xf32, #tpu.memory_space<vmem>> -> memref<1x50x32xf32, #tpu.memory_space<vmem>>
        %dma_wait3A_1068 = tpu.memref_squeeze %dma_wait3A_1067 : memref<1x50x32xf32, #tpu.memory_space<vmem>> -> memref<50x32xf32, #tpu.memory_space<vmem>>
        tpu.wait_dma2 semaphore(%arg8 : memref<!tpu.dma_semaphore, #tpu.memory_space<semaphore_mem>>) src(%dma_wait3A_1068 : memref<50x32xf32, #tpu.memory_space<vmem>>) dst(%dma_wait3A_1059 : memref<50x32xf32, #tpu.memory_space<hbm>>)
        %sub3A_1069 = arith.constant 1 : i32
        %sub3A_1070 = arith.subi %scan3A_469, %sub3A_1069 : i32
        %sub3A_1071 = arith.constant 1 : i32
        %sub3A_1072 = arith.subi %sub3A_1071, %rem3A_471 : i32
        %mul3A_1073 = arith.constant 8 : i32
        %mul3A_1074 = arith.muli %sub3A_1070, %mul3A_1073 : i32
        %add3A_1075 = arith.addi %mul3A_2, %mul3A_1074 : i32
        %add3A_1076 = arith.constant 3 : i32
        %add3A_1077 = arith.addi %add3A_1075, %add3A_1076 : i32
        %dma_wait3A_1078 = arith.constant 3 : i32
        %dma_wait3A_1079 = arith.constant 0 : i32
        %dma_wait3A_1080 = arith.constant 0 : i32
        %dma_wait3A_1081 = arith.constant 0 : i32
        %dma_wait3A_1082 = tpu.memref_slice %arg6[%sub3A_1072, %dma_wait3A_1079, %dma_wait3A_1080, %dma_wait3A_1081] : memref<2x8x50x32xf32, #tpu.memory_space<vmem>> -> memref<1x8x50x32xf32, #tpu.memory_space<vmem>>
        %dma_wait3A_1083 = tpu.memref_squeeze %dma_wait3A_1082 : memref<1x8x50x32xf32, #tpu.memory_space<vmem>> -> memref<8x50x32xf32, #tpu.memory_space<vmem>>
        %dma_wait3A_1084 = arith.constant 0 : i32
        %dma_wait3A_1085 = arith.constant 0 : i32
        %dma_wait3A_1086 = tpu.memref_slice %dma_wait3A_1083[%dma_wait3A_1078, %dma_wait3A_1084, %dma_wait3A_1085] : memref<8x50x32xf32, #tpu.memory_space<vmem>> -> memref<1x50x32xf32, #tpu.memory_space<vmem>>
        %dma_wait3A_1087 = tpu.memref_squeeze %dma_wait3A_1086 : memref<1x50x32xf32, #tpu.memory_space<vmem>> -> memref<50x32xf32, #tpu.memory_space<vmem>>
        %dma_wait3A_1088 = arith.constant 0 : i32
        %dma_wait3A_1089 = arith.constant 0 : i32
        %dma_wait3A_1090 = tpu.memref_slice %arg4[%add3A_1077, %dma_wait3A_1088, %dma_wait3A_1089] : memref<16384x56x128xf32, #tpu.memory_space<hbm>> -> memref<1x56x128xf32, #tpu.memory_space<hbm>>
        %dma_wait3A_1091 = tpu.memref_squeeze %dma_wait3A_1090 : memref<1x56x128xf32, #tpu.memory_space<hbm>> -> memref<56x128xf32, #tpu.memory_space<hbm>>
        %dma_wait3A_1092 = arith.constant 0 : i32
        %dma_wait3A_1093 = arith.constant 0 : i32
        %dma_wait3A_1094 = tpu.memref_slice %dma_wait3A_1091[%dma_wait3A_1092, %dma_wait3A_1093] : memref<56x128xf32, #tpu.memory_space<hbm>> -> memref<50x32xf32, #tpu.memory_space<hbm>>
        %dma_wait3A_1095 = arith.constant 0 : i32
        %dma_wait3A_1096 = arith.constant 0 : i32
        %dma_wait3A_1097 = tpu.memref_slice %arg4[%add3A_1077, %dma_wait3A_1095, %dma_wait3A_1096] : memref<16384x56x128xf32, #tpu.memory_space<hbm>> -> memref<1x56x128xf32, #tpu.memory_space<hbm>>
        %dma_wait3A_1098 = tpu.memref_squeeze %dma_wait3A_1097 : memref<1x56x128xf32, #tpu.memory_space<hbm>> -> memref<56x128xf32, #tpu.memory_space<hbm>>
        %dma_wait3A_1099 = arith.constant 0 : i32
        %dma_wait3A_1100 = arith.constant 0 : i32
        %dma_wait3A_1101 = tpu.memref_slice %dma_wait3A_1098[%dma_wait3A_1099, %dma_wait3A_1100] : memref<56x128xf32, #tpu.memory_space<hbm>> -> memref<50x32xf32, #tpu.memory_space<hbm>>
        %dma_wait3A_1102 = arith.constant 0 : i32
        %dma_wait3A_1103 = arith.constant 0 : i32
        %dma_wait3A_1104 = arith.constant 0 : i32
        %dma_wait3A_1105 = tpu.memref_slice %arg6[%sub3A_1072, %dma_wait3A_1102, %dma_wait3A_1103, %dma_wait3A_1104] : memref<2x8x50x32xf32, #tpu.memory_space<vmem>> -> memref<1x8x50x32xf32, #tpu.memory_space<vmem>>
        %dma_wait3A_1106 = tpu.memref_squeeze %dma_wait3A_1105 : memref<1x8x50x32xf32, #tpu.memory_space<vmem>> -> memref<8x50x32xf32, #tpu.memory_space<vmem>>
        %dma_wait3A_1107 = arith.constant 0 : i32
        %dma_wait3A_1108 = arith.constant 0 : i32
        %dma_wait3A_1109 = tpu.memref_slice %dma_wait3A_1106[%dma_wait3A_1078, %dma_wait3A_1107, %dma_wait3A_1108] : memref<8x50x32xf32, #tpu.memory_space<vmem>> -> memref<1x50x32xf32, #tpu.memory_space<vmem>>
        %dma_wait3A_1110 = tpu.memref_squeeze %dma_wait3A_1109 : memref<1x50x32xf32, #tpu.memory_space<vmem>> -> memref<50x32xf32, #tpu.memory_space<vmem>>
        tpu.wait_dma2 semaphore(%arg8 : memref<!tpu.dma_semaphore, #tpu.memory_space<semaphore_mem>>) src(%dma_wait3A_1110 : memref<50x32xf32, #tpu.memory_space<vmem>>) dst(%dma_wait3A_1101 : memref<50x32xf32, #tpu.memory_space<hbm>>)
        %sub3A_1111 = arith.constant 1 : i32
        %sub3A_1112 = arith.subi %scan3A_469, %sub3A_1111 : i32
        %sub3A_1113 = arith.constant 1 : i32
        %sub3A_1114 = arith.subi %sub3A_1113, %rem3A_471 : i32
        %mul3A_1115 = arith.constant 8 : i32
        %mul3A_1116 = arith.muli %sub3A_1112, %mul3A_1115 : i32
        %add3A_1117 = arith.addi %mul3A_2, %mul3A_1116 : i32
        %add3A_1118 = arith.constant 4 : i32
        %add3A_1119 = arith.addi %add3A_1117, %add3A_1118 : i32
        %dma_wait3A_1120 = arith.constant 4 : i32
        %dma_wait3A_1121 = arith.constant 0 : i32
        %dma_wait3A_1122 = arith.constant 0 : i32
        %dma_wait3A_1123 = arith.constant 0 : i32
        %dma_wait3A_1124 = tpu.memref_slice %arg6[%sub3A_1114, %dma_wait3A_1121, %dma_wait3A_1122, %dma_wait3A_1123] : memref<2x8x50x32xf32, #tpu.memory_space<vmem>> -> memref<1x8x50x32xf32, #tpu.memory_space<vmem>>
        %dma_wait3A_1125 = tpu.memref_squeeze %dma_wait3A_1124 : memref<1x8x50x32xf32, #tpu.memory_space<vmem>> -> memref<8x50x32xf32, #tpu.memory_space<vmem>>
        %dma_wait3A_1126 = arith.constant 0 : i32
        %dma_wait3A_1127 = arith.constant 0 : i32
        %dma_wait3A_1128 = tpu.memref_slice %dma_wait3A_1125[%dma_wait3A_1120, %dma_wait3A_1126, %dma_wait3A_1127] : memref<8x50x32xf32, #tpu.memory_space<vmem>> -> memref<1x50x32xf32, #tpu.memory_space<vmem>>
        %dma_wait3A_1129 = tpu.memref_squeeze %dma_wait3A_1128 : memref<1x50x32xf32, #tpu.memory_space<vmem>> -> memref<50x32xf32, #tpu.memory_space<vmem>>
        %dma_wait3A_1130 = arith.constant 0 : i32
        %dma_wait3A_1131 = arith.constant 0 : i32
        %dma_wait3A_1132 = tpu.memref_slice %arg4[%add3A_1119, %dma_wait3A_1130, %dma_wait3A_1131] : memref<16384x56x128xf32, #tpu.memory_space<hbm>> -> memref<1x56x128xf32, #tpu.memory_space<hbm>>
        %dma_wait3A_1133 = tpu.memref_squeeze %dma_wait3A_1132 : memref<1x56x128xf32, #tpu.memory_space<hbm>> -> memref<56x128xf32, #tpu.memory_space<hbm>>
        %dma_wait3A_1134 = arith.constant 0 : i32
        %dma_wait3A_1135 = arith.constant 0 : i32
        %dma_wait3A_1136 = tpu.memref_slice %dma_wait3A_1133[%dma_wait3A_1134, %dma_wait3A_1135] : memref<56x128xf32, #tpu.memory_space<hbm>> -> memref<50x32xf32, #tpu.memory_space<hbm>>
        %dma_wait3A_1137 = arith.constant 0 : i32
        %dma_wait3A_1138 = arith.constant 0 : i32
        %dma_wait3A_1139 = tpu.memref_slice %arg4[%add3A_1119, %dma_wait3A_1137, %dma_wait3A_1138] : memref<16384x56x128xf32, #tpu.memory_space<hbm>> -> memref<1x56x128xf32, #tpu.memory_space<hbm>>
        %dma_wait3A_1140 = tpu.memref_squeeze %dma_wait3A_1139 : memref<1x56x128xf32, #tpu.memory_space<hbm>> -> memref<56x128xf32, #tpu.memory_space<hbm>>
        %dma_wait3A_1141 = arith.constant 0 : i32
        %dma_wait3A_1142 = arith.constant 0 : i32
        %dma_wait3A_1143 = tpu.memref_slice %dma_wait3A_1140[%dma_wait3A_1141, %dma_wait3A_1142] : memref<56x128xf32, #tpu.memory_space<hbm>> -> memref<50x32xf32, #tpu.memory_space<hbm>>
        %dma_wait3A_1144 = arith.constant 0 : i32
        %dma_wait3A_1145 = arith.constant 0 : i32
        %dma_wait3A_1146 = arith.constant 0 : i32
        %dma_wait3A_1147 = tpu.memref_slice %arg6[%sub3A_1114, %dma_wait3A_1144, %dma_wait3A_1145, %dma_wait3A_1146] : memref<2x8x50x32xf32, #tpu.memory_space<vmem>> -> memref<1x8x50x32xf32, #tpu.memory_space<vmem>>
        %dma_wait3A_1148 = tpu.memref_squeeze %dma_wait3A_1147 : memref<1x8x50x32xf32, #tpu.memory_space<vmem>> -> memref<8x50x32xf32, #tpu.memory_space<vmem>>
        %dma_wait3A_1149 = arith.constant 0 : i32
        %dma_wait3A_1150 = arith.constant 0 : i32
        %dma_wait3A_1151 = tpu.memref_slice %dma_wait3A_1148[%dma_wait3A_1120, %dma_wait3A_1149, %dma_wait3A_1150] : memref<8x50x32xf32, #tpu.memory_space<vmem>> -> memref<1x50x32xf32, #tpu.memory_space<vmem>>
        %dma_wait3A_1152 = tpu.memref_squeeze %dma_wait3A_1151 : memref<1x50x32xf32, #tpu.memory_space<vmem>> -> memref<50x32xf32, #tpu.memory_space<vmem>>
        tpu.wait_dma2 semaphore(%arg8 : memref<!tpu.dma_semaphore, #tpu.memory_space<semaphore_mem>>) src(%dma_wait3A_1152 : memref<50x32xf32, #tpu.memory_space<vmem>>) dst(%dma_wait3A_1143 : memref<50x32xf32, #tpu.memory_space<hbm>>)
        %sub3A_1153 = arith.constant 1 : i32
        %sub3A_1154 = arith.subi %scan3A_469, %sub3A_1153 : i32
        %sub3A_1155 = arith.constant 1 : i32
        %sub3A_1156 = arith.subi %sub3A_1155, %rem3A_471 : i32
        %mul3A_1157 = arith.constant 8 : i32
        %mul3A_1158 = arith.muli %sub3A_1154, %mul3A_1157 : i32
        %add3A_1159 = arith.addi %mul3A_2, %mul3A_1158 : i32
        %add3A_1160 = arith.constant 5 : i32
        %add3A_1161 = arith.addi %add3A_1159, %add3A_1160 : i32
        %dma_wait3A_1162 = arith.constant 5 : i32
        %dma_wait3A_1163 = arith.constant 0 : i32
        %dma_wait3A_1164 = arith.constant 0 : i32
        %dma_wait3A_1165 = arith.constant 0 : i32
        %dma_wait3A_1166 = tpu.memref_slice %arg6[%sub3A_1156, %dma_wait3A_1163, %dma_wait3A_1164, %dma_wait3A_1165] : memref<2x8x50x32xf32, #tpu.memory_space<vmem>> -> memref<1x8x50x32xf32, #tpu.memory_space<vmem>>
        %dma_wait3A_1167 = tpu.memref_squeeze %dma_wait3A_1166 : memref<1x8x50x32xf32, #tpu.memory_space<vmem>> -> memref<8x50x32xf32, #tpu.memory_space<vmem>>
        %dma_wait3A_1168 = arith.constant 0 : i32
        %dma_wait3A_1169 = arith.constant 0 : i32
        %dma_wait3A_1170 = tpu.memref_slice %dma_wait3A_1167[%dma_wait3A_1162, %dma_wait3A_1168, %dma_wait3A_1169] : memref<8x50x32xf32, #tpu.memory_space<vmem>> -> memref<1x50x32xf32, #tpu.memory_space<vmem>>
        %dma_wait3A_1171 = tpu.memref_squeeze %dma_wait3A_1170 : memref<1x50x32xf32, #tpu.memory_space<vmem>> -> memref<50x32xf32, #tpu.memory_space<vmem>>
        %dma_wait3A_1172 = arith.constant 0 : i32
        %dma_wait3A_1173 = arith.constant 0 : i32
        %dma_wait3A_1174 = tpu.memref_slice %arg4[%add3A_1161, %dma_wait3A_1172, %dma_wait3A_1173] : memref<16384x56x128xf32, #tpu.memory_space<hbm>> -> memref<1x56x128xf32, #tpu.memory_space<hbm>>
        %dma_wait3A_1175 = tpu.memref_squeeze %dma_wait3A_1174 : memref<1x56x128xf32, #tpu.memory_space<hbm>> -> memref<56x128xf32, #tpu.memory_space<hbm>>
        %dma_wait3A_1176 = arith.constant 0 : i32
        %dma_wait3A_1177 = arith.constant 0 : i32
        %dma_wait3A_1178 = tpu.memref_slice %dma_wait3A_1175[%dma_wait3A_1176, %dma_wait3A_1177] : memref<56x128xf32, #tpu.memory_space<hbm>> -> memref<50x32xf32, #tpu.memory_space<hbm>>
        %dma_wait3A_1179 = arith.constant 0 : i32
        %dma_wait3A_1180 = arith.constant 0 : i32
        %dma_wait3A_1181 = tpu.memref_slice %arg4[%add3A_1161, %dma_wait3A_1179, %dma_wait3A_1180] : memref<16384x56x128xf32, #tpu.memory_space<hbm>> -> memref<1x56x128xf32, #tpu.memory_space<hbm>>
        %dma_wait3A_1182 = tpu.memref_squeeze %dma_wait3A_1181 : memref<1x56x128xf32, #tpu.memory_space<hbm>> -> memref<56x128xf32, #tpu.memory_space<hbm>>
        %dma_wait3A_1183 = arith.constant 0 : i32
        %dma_wait3A_1184 = arith.constant 0 : i32
        %dma_wait3A_1185 = tpu.memref_slice %dma_wait3A_1182[%dma_wait3A_1183, %dma_wait3A_1184] : memref<56x128xf32, #tpu.memory_space<hbm>> -> memref<50x32xf32, #tpu.memory_space<hbm>>
        %dma_wait3A_1186 = arith.constant 0 : i32
        %dma_wait3A_1187 = arith.constant 0 : i32
        %dma_wait3A_1188 = arith.constant 0 : i32
        %dma_wait3A_1189 = tpu.memref_slice %arg6[%sub3A_1156, %dma_wait3A_1186, %dma_wait3A_1187, %dma_wait3A_1188] : memref<2x8x50x32xf32, #tpu.memory_space<vmem>> -> memref<1x8x50x32xf32, #tpu.memory_space<vmem>>
        %dma_wait3A_1190 = tpu.memref_squeeze %dma_wait3A_1189 : memref<1x8x50x32xf32, #tpu.memory_space<vmem>> -> memref<8x50x32xf32, #tpu.memory_space<vmem>>
        %dma_wait3A_1191 = arith.constant 0 : i32
        %dma_wait3A_1192 = arith.constant 0 : i32
        %dma_wait3A_1193 = tpu.memref_slice %dma_wait3A_1190[%dma_wait3A_1162, %dma_wait3A_1191, %dma_wait3A_1192] : memref<8x50x32xf32, #tpu.memory_space<vmem>> -> memref<1x50x32xf32, #tpu.memory_space<vmem>>
        %dma_wait3A_1194 = tpu.memref_squeeze %dma_wait3A_1193 : memref<1x50x32xf32, #tpu.memory_space<vmem>> -> memref<50x32xf32, #tpu.memory_space<vmem>>
        tpu.wait_dma2 semaphore(%arg8 : memref<!tpu.dma_semaphore, #tpu.memory_space<semaphore_mem>>) src(%dma_wait3A_1194 : memref<50x32xf32, #tpu.memory_space<vmem>>) dst(%dma_wait3A_1185 : memref<50x32xf32, #tpu.memory_space<hbm>>)
        %sub3A_1195 = arith.constant 1 : i32
        %sub3A_1196 = arith.subi %scan3A_469, %sub3A_1195 : i32
        %sub3A_1197 = arith.constant 1 : i32
        %sub3A_1198 = arith.subi %sub3A_1197, %rem3A_471 : i32
        %mul3A_1199 = arith.constant 8 : i32
        %mul3A_1200 = arith.muli %sub3A_1196, %mul3A_1199 : i32
        %add3A_1201 = arith.addi %mul3A_2, %mul3A_1200 : i32
        %add3A_1202 = arith.constant 6 : i32
        %add3A_1203 = arith.addi %add3A_1201, %add3A_1202 : i32
        %dma_wait3A_1204 = arith.constant 6 : i32
        %dma_wait3A_1205 = arith.constant 0 : i32
        %dma_wait3A_1206 = arith.constant 0 : i32
        %dma_wait3A_1207 = arith.constant 0 : i32
        %dma_wait3A_1208 = tpu.memref_slice %arg6[%sub3A_1198, %dma_wait3A_1205, %dma_wait3A_1206, %dma_wait3A_1207] : memref<2x8x50x32xf32, #tpu.memory_space<vmem>> -> memref<1x8x50x32xf32, #tpu.memory_space<vmem>>
        %dma_wait3A_1209 = tpu.memref_squeeze %dma_wait3A_1208 : memref<1x8x50x32xf32, #tpu.memory_space<vmem>> -> memref<8x50x32xf32, #tpu.memory_space<vmem>>
        %dma_wait3A_1210 = arith.constant 0 : i32
        %dma_wait3A_1211 = arith.constant 0 : i32
        %dma_wait3A_1212 = tpu.memref_slice %dma_wait3A_1209[%dma_wait3A_1204, %dma_wait3A_1210, %dma_wait3A_1211] : memref<8x50x32xf32, #tpu.memory_space<vmem>> -> memref<1x50x32xf32, #tpu.memory_space<vmem>>
        %dma_wait3A_1213 = tpu.memref_squeeze %dma_wait3A_1212 : memref<1x50x32xf32, #tpu.memory_space<vmem>> -> memref<50x32xf32, #tpu.memory_space<vmem>>
        %dma_wait3A_1214 = arith.constant 0 : i32
        %dma_wait3A_1215 = arith.constant 0 : i32
        %dma_wait3A_1216 = tpu.memref_slice %arg4[%add3A_1203, %dma_wait3A_1214, %dma_wait3A_1215] : memref<16384x56x128xf32, #tpu.memory_space<hbm>> -> memref<1x56x128xf32, #tpu.memory_space<hbm>>
        %dma_wait3A_1217 = tpu.memref_squeeze %dma_wait3A_1216 : memref<1x56x128xf32, #tpu.memory_space<hbm>> -> memref<56x128xf32, #tpu.memory_space<hbm>>
        %dma_wait3A_1218 = arith.constant 0 : i32
        %dma_wait3A_1219 = arith.constant 0 : i32
        %dma_wait3A_1220 = tpu.memref_slice %dma_wait3A_1217[%dma_wait3A_1218, %dma_wait3A_1219] : memref<56x128xf32, #tpu.memory_space<hbm>> -> memref<50x32xf32, #tpu.memory_space<hbm>>
        %dma_wait3A_1221 = arith.constant 0 : i32
        %dma_wait3A_1222 = arith.constant 0 : i32
        %dma_wait3A_1223 = tpu.memref_slice %arg4[%add3A_1203, %dma_wait3A_1221, %dma_wait3A_1222] : memref<16384x56x128xf32, #tpu.memory_space<hbm>> -> memref<1x56x128xf32, #tpu.memory_space<hbm>>
        %dma_wait3A_1224 = tpu.memref_squeeze %dma_wait3A_1223 : memref<1x56x128xf32, #tpu.memory_space<hbm>> -> memref<56x128xf32, #tpu.memory_space<hbm>>
        %dma_wait3A_1225 = arith.constant 0 : i32
        %dma_wait3A_1226 = arith.constant 0 : i32
        %dma_wait3A_1227 = tpu.memref_slice %dma_wait3A_1224[%dma_wait3A_1225, %dma_wait3A_1226] : memref<56x128xf32, #tpu.memory_space<hbm>> -> memref<50x32xf32, #tpu.memory_space<hbm>>
        %dma_wait3A_1228 = arith.constant 0 : i32
        %dma_wait3A_1229 = arith.constant 0 : i32
        %dma_wait3A_1230 = arith.constant 0 : i32
        %dma_wait3A_1231 = tpu.memref_slice %arg6[%sub3A_1198, %dma_wait3A_1228, %dma_wait3A_1229, %dma_wait3A_1230] : memref<2x8x50x32xf32, #tpu.memory_space<vmem>> -> memref<1x8x50x32xf32, #tpu.memory_space<vmem>>
        %dma_wait3A_1232 = tpu.memref_squeeze %dma_wait3A_1231 : memref<1x8x50x32xf32, #tpu.memory_space<vmem>> -> memref<8x50x32xf32, #tpu.memory_space<vmem>>
        %dma_wait3A_1233 = arith.constant 0 : i32
        %dma_wait3A_1234 = arith.constant 0 : i32
        %dma_wait3A_1235 = tpu.memref_slice %dma_wait3A_1232[%dma_wait3A_1204, %dma_wait3A_1233, %dma_wait3A_1234] : memref<8x50x32xf32, #tpu.memory_space<vmem>> -> memref<1x50x32xf32, #tpu.memory_space<vmem>>
        %dma_wait3A_1236 = tpu.memref_squeeze %dma_wait3A_1235 : memref<1x50x32xf32, #tpu.memory_space<vmem>> -> memref<50x32xf32, #tpu.memory_space<vmem>>
        tpu.wait_dma2 semaphore(%arg8 : memref<!tpu.dma_semaphore, #tpu.memory_space<semaphore_mem>>) src(%dma_wait3A_1236 : memref<50x32xf32, #tpu.memory_space<vmem>>) dst(%dma_wait3A_1227 : memref<50x32xf32, #tpu.memory_space<hbm>>)
        %sub3A_1237 = arith.constant 1 : i32
        %sub3A_1238 = arith.subi %scan3A_469, %sub3A_1237 : i32
        %sub3A_1239 = arith.constant 1 : i32
        %sub3A_1240 = arith.subi %sub3A_1239, %rem3A_471 : i32
        %mul3A_1241 = arith.constant 8 : i32
        %mul3A_1242 = arith.muli %sub3A_1238, %mul3A_1241 : i32
        %add3A_1243 = arith.addi %mul3A_2, %mul3A_1242 : i32
        %add3A_1244 = arith.constant 7 : i32
        %add3A_1245 = arith.addi %add3A_1243, %add3A_1244 : i32
        %dma_wait3A_1246 = arith.constant 7 : i32
        %dma_wait3A_1247 = arith.constant 0 : i32
        %dma_wait3A_1248 = arith.constant 0 : i32
        %dma_wait3A_1249 = arith.constant 0 : i32
        %dma_wait3A_1250 = tpu.memref_slice %arg6[%sub3A_1240, %dma_wait3A_1247, %dma_wait3A_1248, %dma_wait3A_1249] : memref<2x8x50x32xf32, #tpu.memory_space<vmem>> -> memref<1x8x50x32xf32, #tpu.memory_space<vmem>>
        %dma_wait3A_1251 = tpu.memref_squeeze %dma_wait3A_1250 : memref<1x8x50x32xf32, #tpu.memory_space<vmem>> -> memref<8x50x32xf32, #tpu.memory_space<vmem>>
        %dma_wait3A_1252 = arith.constant 0 : i32
        %dma_wait3A_1253 = arith.constant 0 : i32
        %dma_wait3A_1254 = tpu.memref_slice %dma_wait3A_1251[%dma_wait3A_1246, %dma_wait3A_1252, %dma_wait3A_1253] : memref<8x50x32xf32, #tpu.memory_space<vmem>> -> memref<1x50x32xf32, #tpu.memory_space<vmem>>
        %dma_wait3A_1255 = tpu.memref_squeeze %dma_wait3A_1254 : memref<1x50x32xf32, #tpu.memory_space<vmem>> -> memref<50x32xf32, #tpu.memory_space<vmem>>
        %dma_wait3A_1256 = arith.constant 0 : i32
        %dma_wait3A_1257 = arith.constant 0 : i32
        %dma_wait3A_1258 = tpu.memref_slice %arg4[%add3A_1245, %dma_wait3A_1256, %dma_wait3A_1257] : memref<16384x56x128xf32, #tpu.memory_space<hbm>> -> memref<1x56x128xf32, #tpu.memory_space<hbm>>
        %dma_wait3A_1259 = tpu.memref_squeeze %dma_wait3A_1258 : memref<1x56x128xf32, #tpu.memory_space<hbm>> -> memref<56x128xf32, #tpu.memory_space<hbm>>
        %dma_wait3A_1260 = arith.constant 0 : i32
        %dma_wait3A_1261 = arith.constant 0 : i32
        %dma_wait3A_1262 = tpu.memref_slice %dma_wait3A_1259[%dma_wait3A_1260, %dma_wait3A_1261] : memref<56x128xf32, #tpu.memory_space<hbm>> -> memref<50x32xf32, #tpu.memory_space<hbm>>
        %dma_wait3A_1263 = arith.constant 0 : i32
        %dma_wait3A_1264 = arith.constant 0 : i32
        %dma_wait3A_1265 = tpu.memref_slice %arg4[%add3A_1245, %dma_wait3A_1263, %dma_wait3A_1264] : memref<16384x56x128xf32, #tpu.memory_space<hbm>> -> memref<1x56x128xf32, #tpu.memory_space<hbm>>
        %dma_wait3A_1266 = tpu.memref_squeeze %dma_wait3A_1265 : memref<1x56x128xf32, #tpu.memory_space<hbm>> -> memref<56x128xf32, #tpu.memory_space<hbm>>
        %dma_wait3A_1267 = arith.constant 0 : i32
        %dma_wait3A_1268 = arith.constant 0 : i32
        %dma_wait3A_1269 = tpu.memref_slice %dma_wait3A_1266[%dma_wait3A_1267, %dma_wait3A_1268] : memref<56x128xf32, #tpu.memory_space<hbm>> -> memref<50x32xf32, #tpu.memory_space<hbm>>
        %dma_wait3A_1270 = arith.constant 0 : i32
        %dma_wait3A_1271 = arith.constant 0 : i32
        %dma_wait3A_1272 = arith.constant 0 : i32
        %dma_wait3A_1273 = tpu.memref_slice %arg6[%sub3A_1240, %dma_wait3A_1270, %dma_wait3A_1271, %dma_wait3A_1272] : memref<2x8x50x32xf32, #tpu.memory_space<vmem>> -> memref<1x8x50x32xf32, #tpu.memory_space<vmem>>
        %dma_wait3A_1274 = tpu.memref_squeeze %dma_wait3A_1273 : memref<1x8x50x32xf32, #tpu.memory_space<vmem>> -> memref<8x50x32xf32, #tpu.memory_space<vmem>>
        %dma_wait3A_1275 = arith.constant 0 : i32
        %dma_wait3A_1276 = arith.constant 0 : i32
        %dma_wait3A_1277 = tpu.memref_slice %dma_wait3A_1274[%dma_wait3A_1246, %dma_wait3A_1275, %dma_wait3A_1276] : memref<8x50x32xf32, #tpu.memory_space<vmem>> -> memref<1x50x32xf32, #tpu.memory_space<vmem>>
        %dma_wait3A_1278 = tpu.memref_squeeze %dma_wait3A_1277 : memref<1x50x32xf32, #tpu.memory_space<vmem>> -> memref<50x32xf32, #tpu.memory_space<vmem>>
        tpu.wait_dma2 semaphore(%arg8 : memref<!tpu.dma_semaphore, #tpu.memory_space<semaphore_mem>>) src(%dma_wait3A_1278 : memref<50x32xf32, #tpu.memory_space<vmem>>) dst(%dma_wait3A_1269 : memref<50x32xf32, #tpu.memory_space<hbm>>)
      } else {
      }
      %mul3A_634 = arith.constant 8 : i32
      %mul3A_635 = arith.muli %scan3A_469, %mul3A_634 : i32
      %add3A_636 = arith.addi %mul3A_2, %mul3A_635 : i32
      %add3A_637 = arith.constant 0 : i32
      %add3A_638 = arith.addi %add3A_636, %add3A_637 : i32
      %dma_start3A_639 = arith.constant 0 : i32
      %dma_start3A_640 = arith.constant 0 : i32
      %dma_start3A_641 = arith.constant 0 : i32
      %dma_start3A_642 = arith.constant 0 : i32
      %dma_start3A_643 = tpu.memref_slice %arg6[%rem3A_471, %dma_start3A_640, %dma_start3A_641, %dma_start3A_642] : memref<2x8x50x32xf32, #tpu.memory_space<vmem>> -> memref<1x8x50x32xf32, #tpu.memory_space<vmem>>
      %dma_start3A_644 = tpu.memref_squeeze %dma_start3A_643 : memref<1x8x50x32xf32, #tpu.memory_space<vmem>> -> memref<8x50x32xf32, #tpu.memory_space<vmem>>
      %dma_start3A_645 = arith.constant 0 : i32
      %dma_start3A_646 = arith.constant 0 : i32
      %dma_start3A_647 = tpu.memref_slice %dma_start3A_644[%dma_start3A_639, %dma_start3A_645, %dma_start3A_646] : memref<8x50x32xf32, #tpu.memory_space<vmem>> -> memref<1x50x32xf32, #tpu.memory_space<vmem>>
      %dma_start3A_648 = tpu.memref_squeeze %dma_start3A_647 : memref<1x50x32xf32, #tpu.memory_space<vmem>> -> memref<50x32xf32, #tpu.memory_space<vmem>>
      %dma_start3A_649 = arith.constant 0 : i32
      %dma_start3A_650 = arith.constant 0 : i32
      %dma_start3A_651 = tpu.memref_slice %arg4[%add3A_638, %dma_start3A_649, %dma_start3A_650] : memref<16384x56x128xf32, #tpu.memory_space<hbm>> -> memref<1x56x128xf32, #tpu.memory_space<hbm>>
      %dma_start3A_652 = tpu.memref_squeeze %dma_start3A_651 : memref<1x56x128xf32, #tpu.memory_space<hbm>> -> memref<56x128xf32, #tpu.memory_space<hbm>>
      %dma_start3A_653 = arith.constant 0 : i32
      %dma_start3A_654 = arith.constant 0 : i32
      %dma_start3A_655 = tpu.memref_slice %dma_start3A_652[%dma_start3A_653, %dma_start3A_654] : memref<56x128xf32, #tpu.memory_space<hbm>> -> memref<50x32xf32, #tpu.memory_space<hbm>>
      %dma_start3A_656 = arith.constant 0 : i32
      %dma_start3A_657 = arith.constant 0 : i32
      %dma_start3A_658 = tpu.memref_slice %arg4[%add3A_638, %dma_start3A_656, %dma_start3A_657] : memref<16384x56x128xf32, #tpu.memory_space<hbm>> -> memref<1x56x128xf32, #tpu.memory_space<hbm>>
      %dma_start3A_659 = tpu.memref_squeeze %dma_start3A_658 : memref<1x56x128xf32, #tpu.memory_space<hbm>> -> memref<56x128xf32, #tpu.memory_space<hbm>>
      %dma_start3A_660 = arith.constant 0 : i32
      %dma_start3A_661 = arith.constant 0 : i32
      %dma_start3A_662 = tpu.memref_slice %dma_start3A_659[%dma_start3A_660, %dma_start3A_661] : memref<56x128xf32, #tpu.memory_space<hbm>> -> memref<50x32xf32, #tpu.memory_space<hbm>>
      %dma_start3A_663 = arith.constant 0 : i32
      %dma_start3A_664 = arith.constant 0 : i32
      %dma_start3A_665 = arith.constant 0 : i32
      %dma_start3A_666 = tpu.memref_slice %arg6[%rem3A_471, %dma_start3A_663, %dma_start3A_664, %dma_start3A_665] : memref<2x8x50x32xf32, #tpu.memory_space<vmem>> -> memref<1x8x50x32xf32, #tpu.memory_space<vmem>>
      %dma_start3A_667 = tpu.memref_squeeze %dma_start3A_666 : memref<1x8x50x32xf32, #tpu.memory_space<vmem>> -> memref<8x50x32xf32, #tpu.memory_space<vmem>>
      %dma_start3A_668 = arith.constant 0 : i32
      %dma_start3A_669 = arith.constant 0 : i32
      %dma_start3A_670 = tpu.memref_slice %dma_start3A_667[%dma_start3A_639, %dma_start3A_668, %dma_start3A_669] : memref<8x50x32xf32, #tpu.memory_space<vmem>> -> memref<1x50x32xf32, #tpu.memory_space<vmem>>
      %dma_start3A_671 = tpu.memref_squeeze %dma_start3A_670 : memref<1x50x32xf32, #tpu.memory_space<vmem>> -> memref<50x32xf32, #tpu.memory_space<vmem>>
      tpu.enqueue_dma source(%dma_start3A_671 : memref<50x32xf32, #tpu.memory_space<vmem>>) target(%dma_start3A_662 : memref<50x32xf32, #tpu.memory_space<hbm>>) target_semaphore(%arg8 : memref<!tpu.dma_semaphore, #tpu.memory_space<semaphore_mem>>)
      %mul3A_672 = arith.constant 8 : i32
      %mul3A_673 = arith.muli %scan3A_469, %mul3A_672 : i32
      %add3A_674 = arith.addi %mul3A_2, %mul3A_673 : i32
      %add3A_675 = arith.constant 1 : i32
      %add3A_676 = arith.addi %add3A_674, %add3A_675 : i32
      %dma_start3A_677 = arith.constant 1 : i32
      %dma_start3A_678 = arith.constant 0 : i32
      %dma_start3A_679 = arith.constant 0 : i32
      %dma_start3A_680 = arith.constant 0 : i32
      %dma_start3A_681 = tpu.memref_slice %arg6[%rem3A_471, %dma_start3A_678, %dma_start3A_679, %dma_start3A_680] : memref<2x8x50x32xf32, #tpu.memory_space<vmem>> -> memref<1x8x50x32xf32, #tpu.memory_space<vmem>>
      %dma_start3A_682 = tpu.memref_squeeze %dma_start3A_681 : memref<1x8x50x32xf32, #tpu.memory_space<vmem>> -> memref<8x50x32xf32, #tpu.memory_space<vmem>>
      %dma_start3A_683 = arith.constant 0 : i32
      %dma_start3A_684 = arith.constant 0 : i32
      %dma_start3A_685 = tpu.memref_slice %dma_start3A_682[%dma_start3A_677, %dma_start3A_683, %dma_start3A_684] : memref<8x50x32xf32, #tpu.memory_space<vmem>> -> memref<1x50x32xf32, #tpu.memory_space<vmem>>
      %dma_start3A_686 = tpu.memref_squeeze %dma_start3A_685 : memref<1x50x32xf32, #tpu.memory_space<vmem>> -> memref<50x32xf32, #tpu.memory_space<vmem>>
      %dma_start3A_687 = arith.constant 0 : i32
      %dma_start3A_688 = arith.constant 0 : i32
      %dma_start3A_689 = tpu.memref_slice %arg4[%add3A_676, %dma_start3A_687, %dma_start3A_688] : memref<16384x56x128xf32, #tpu.memory_space<hbm>> -> memref<1x56x128xf32, #tpu.memory_space<hbm>>
      %dma_start3A_690 = tpu.memref_squeeze %dma_start3A_689 : memref<1x56x128xf32, #tpu.memory_space<hbm>> -> memref<56x128xf32, #tpu.memory_space<hbm>>
      %dma_start3A_691 = arith.constant 0 : i32
      %dma_start3A_692 = arith.constant 0 : i32
      %dma_start3A_693 = tpu.memref_slice %dma_start3A_690[%dma_start3A_691, %dma_start3A_692] : memref<56x128xf32, #tpu.memory_space<hbm>> -> memref<50x32xf32, #tpu.memory_space<hbm>>
      %dma_start3A_694 = arith.constant 0 : i32
      %dma_start3A_695 = arith.constant 0 : i32
      %dma_start3A_696 = tpu.memref_slice %arg4[%add3A_676, %dma_start3A_694, %dma_start3A_695] : memref<16384x56x128xf32, #tpu.memory_space<hbm>> -> memref<1x56x128xf32, #tpu.memory_space<hbm>>
      %dma_start3A_697 = tpu.memref_squeeze %dma_start3A_696 : memref<1x56x128xf32, #tpu.memory_space<hbm>> -> memref<56x128xf32, #tpu.memory_space<hbm>>
      %dma_start3A_698 = arith.constant 0 : i32
      %dma_start3A_699 = arith.constant 0 : i32
      %dma_start3A_700 = tpu.memref_slice %dma_start3A_697[%dma_start3A_698, %dma_start3A_699] : memref<56x128xf32, #tpu.memory_space<hbm>> -> memref<50x32xf32, #tpu.memory_space<hbm>>
      %dma_start3A_701 = arith.constant 0 : i32
      %dma_start3A_702 = arith.constant 0 : i32
      %dma_start3A_703 = arith.constant 0 : i32
      %dma_start3A_704 = tpu.memref_slice %arg6[%rem3A_471, %dma_start3A_701, %dma_start3A_702, %dma_start3A_703] : memref<2x8x50x32xf32, #tpu.memory_space<vmem>> -> memref<1x8x50x32xf32, #tpu.memory_space<vmem>>
      %dma_start3A_705 = tpu.memref_squeeze %dma_start3A_704 : memref<1x8x50x32xf32, #tpu.memory_space<vmem>> -> memref<8x50x32xf32, #tpu.memory_space<vmem>>
      %dma_start3A_706 = arith.constant 0 : i32
      %dma_start3A_707 = arith.constant 0 : i32
      %dma_start3A_708 = tpu.memref_slice %dma_start3A_705[%dma_start3A_677, %dma_start3A_706, %dma_start3A_707] : memref<8x50x32xf32, #tpu.memory_space<vmem>> -> memref<1x50x32xf32, #tpu.memory_space<vmem>>
      %dma_start3A_709 = tpu.memref_squeeze %dma_start3A_708 : memref<1x50x32xf32, #tpu.memory_space<vmem>> -> memref<50x32xf32, #tpu.memory_space<vmem>>
      tpu.enqueue_dma source(%dma_start3A_709 : memref<50x32xf32, #tpu.memory_space<vmem>>) target(%dma_start3A_700 : memref<50x32xf32, #tpu.memory_space<hbm>>) target_semaphore(%arg8 : memref<!tpu.dma_semaphore, #tpu.memory_space<semaphore_mem>>)
      %mul3A_710 = arith.constant 8 : i32
      %mul3A_711 = arith.muli %scan3A_469, %mul3A_710 : i32
      %add3A_712 = arith.addi %mul3A_2, %mul3A_711 : i32
      %add3A_713 = arith.constant 2 : i32
      %add3A_714 = arith.addi %add3A_712, %add3A_713 : i32
      %dma_start3A_715 = arith.constant 2 : i32
      %dma_start3A_716 = arith.constant 0 : i32
      %dma_start3A_717 = arith.constant 0 : i32
      %dma_start3A_718 = arith.constant 0 : i32
      %dma_start3A_719 = tpu.memref_slice %arg6[%rem3A_471, %dma_start3A_716, %dma_start3A_717, %dma_start3A_718] : memref<2x8x50x32xf32, #tpu.memory_space<vmem>> -> memref<1x8x50x32xf32, #tpu.memory_space<vmem>>
      %dma_start3A_720 = tpu.memref_squeeze %dma_start3A_719 : memref<1x8x50x32xf32, #tpu.memory_space<vmem>> -> memref<8x50x32xf32, #tpu.memory_space<vmem>>
      %dma_start3A_721 = arith.constant 0 : i32
      %dma_start3A_722 = arith.constant 0 : i32
      %dma_start3A_723 = tpu.memref_slice %dma_start3A_720[%dma_start3A_715, %dma_start3A_721, %dma_start3A_722] : memref<8x50x32xf32, #tpu.memory_space<vmem>> -> memref<1x50x32xf32, #tpu.memory_space<vmem>>
      %dma_start3A_724 = tpu.memref_squeeze %dma_start3A_723 : memref<1x50x32xf32, #tpu.memory_space<vmem>> -> memref<50x32xf32, #tpu.memory_space<vmem>>
      %dma_start3A_725 = arith.constant 0 : i32
      %dma_start3A_726 = arith.constant 0 : i32
      %dma_start3A_727 = tpu.memref_slice %arg4[%add3A_714, %dma_start3A_725, %dma_start3A_726] : memref<16384x56x128xf32, #tpu.memory_space<hbm>> -> memref<1x56x128xf32, #tpu.memory_space<hbm>>
      %dma_start3A_728 = tpu.memref_squeeze %dma_start3A_727 : memref<1x56x128xf32, #tpu.memory_space<hbm>> -> memref<56x128xf32, #tpu.memory_space<hbm>>
      %dma_start3A_729 = arith.constant 0 : i32
      %dma_start3A_730 = arith.constant 0 : i32
      %dma_start3A_731 = tpu.memref_slice %dma_start3A_728[%dma_start3A_729, %dma_start3A_730] : memref<56x128xf32, #tpu.memory_space<hbm>> -> memref<50x32xf32, #tpu.memory_space<hbm>>
      %dma_start3A_732 = arith.constant 0 : i32
      %dma_start3A_733 = arith.constant 0 : i32
      %dma_start3A_734 = tpu.memref_slice %arg4[%add3A_714, %dma_start3A_732, %dma_start3A_733] : memref<16384x56x128xf32, #tpu.memory_space<hbm>> -> memref<1x56x128xf32, #tpu.memory_space<hbm>>
      %dma_start3A_735 = tpu.memref_squeeze %dma_start3A_734 : memref<1x56x128xf32, #tpu.memory_space<hbm>> -> memref<56x128xf32, #tpu.memory_space<hbm>>
      %dma_start3A_736 = arith.constant 0 : i32
      %dma_start3A_737 = arith.constant 0 : i32
      %dma_start3A_738 = tpu.memref_slice %dma_start3A_735[%dma_start3A_736, %dma_start3A_737] : memref<56x128xf32, #tpu.memory_space<hbm>> -> memref<50x32xf32, #tpu.memory_space<hbm>>
      %dma_start3A_739 = arith.constant 0 : i32
      %dma_start3A_740 = arith.constant 0 : i32
      %dma_start3A_741 = arith.constant 0 : i32
      %dma_start3A_742 = tpu.memref_slice %arg6[%rem3A_471, %dma_start3A_739, %dma_start3A_740, %dma_start3A_741] : memref<2x8x50x32xf32, #tpu.memory_space<vmem>> -> memref<1x8x50x32xf32, #tpu.memory_space<vmem>>
      %dma_start3A_743 = tpu.memref_squeeze %dma_start3A_742 : memref<1x8x50x32xf32, #tpu.memory_space<vmem>> -> memref<8x50x32xf32, #tpu.memory_space<vmem>>
      %dma_start3A_744 = arith.constant 0 : i32
      %dma_start3A_745 = arith.constant 0 : i32
      %dma_start3A_746 = tpu.memref_slice %dma_start3A_743[%dma_start3A_715, %dma_start3A_744, %dma_start3A_745] : memref<8x50x32xf32, #tpu.memory_space<vmem>> -> memref<1x50x32xf32, #tpu.memory_space<vmem>>
      %dma_start3A_747 = tpu.memref_squeeze %dma_start3A_746 : memref<1x50x32xf32, #tpu.memory_space<vmem>> -> memref<50x32xf32, #tpu.memory_space<vmem>>
      tpu.enqueue_dma source(%dma_start3A_747 : memref<50x32xf32, #tpu.memory_space<vmem>>) target(%dma_start3A_738 : memref<50x32xf32, #tpu.memory_space<hbm>>) target_semaphore(%arg8 : memref<!tpu.dma_semaphore, #tpu.memory_space<semaphore_mem>>)
      %mul3A_748 = arith.constant 8 : i32
      %mul3A_749 = arith.muli %scan3A_469, %mul3A_748 : i32
      %add3A_750 = arith.addi %mul3A_2, %mul3A_749 : i32
      %add3A_751 = arith.constant 3 : i32
      %add3A_752 = arith.addi %add3A_750, %add3A_751 : i32
      %dma_start3A_753 = arith.constant 3 : i32
      %dma_start3A_754 = arith.constant 0 : i32
      %dma_start3A_755 = arith.constant 0 : i32
      %dma_start3A_756 = arith.constant 0 : i32
      %dma_start3A_757 = tpu.memref_slice %arg6[%rem3A_471, %dma_start3A_754, %dma_start3A_755, %dma_start3A_756] : memref<2x8x50x32xf32, #tpu.memory_space<vmem>> -> memref<1x8x50x32xf32, #tpu.memory_space<vmem>>
      %dma_start3A_758 = tpu.memref_squeeze %dma_start3A_757 : memref<1x8x50x32xf32, #tpu.memory_space<vmem>> -> memref<8x50x32xf32, #tpu.memory_space<vmem>>
      %dma_start3A_759 = arith.constant 0 : i32
      %dma_start3A_760 = arith.constant 0 : i32
      %dma_start3A_761 = tpu.memref_slice %dma_start3A_758[%dma_start3A_753, %dma_start3A_759, %dma_start3A_760] : memref<8x50x32xf32, #tpu.memory_space<vmem>> -> memref<1x50x32xf32, #tpu.memory_space<vmem>>
      %dma_start3A_762 = tpu.memref_squeeze %dma_start3A_761 : memref<1x50x32xf32, #tpu.memory_space<vmem>> -> memref<50x32xf32, #tpu.memory_space<vmem>>
      %dma_start3A_763 = arith.constant 0 : i32
      %dma_start3A_764 = arith.constant 0 : i32
      %dma_start3A_765 = tpu.memref_slice %arg4[%add3A_752, %dma_start3A_763, %dma_start3A_764] : memref<16384x56x128xf32, #tpu.memory_space<hbm>> -> memref<1x56x128xf32, #tpu.memory_space<hbm>>
      %dma_start3A_766 = tpu.memref_squeeze %dma_start3A_765 : memref<1x56x128xf32, #tpu.memory_space<hbm>> -> memref<56x128xf32, #tpu.memory_space<hbm>>
      %dma_start3A_767 = arith.constant 0 : i32
      %dma_start3A_768 = arith.constant 0 : i32
      %dma_start3A_769 = tpu.memref_slice %dma_start3A_766[%dma_start3A_767, %dma_start3A_768] : memref<56x128xf32, #tpu.memory_space<hbm>> -> memref<50x32xf32, #tpu.memory_space<hbm>>
      %dma_start3A_770 = arith.constant 0 : i32
      %dma_start3A_771 = arith.constant 0 : i32
      %dma_start3A_772 = tpu.memref_slice %arg4[%add3A_752, %dma_start3A_770, %dma_start3A_771] : memref<16384x56x128xf32, #tpu.memory_space<hbm>> -> memref<1x56x128xf32, #tpu.memory_space<hbm>>
      %dma_start3A_773 = tpu.memref_squeeze %dma_start3A_772 : memref<1x56x128xf32, #tpu.memory_space<hbm>> -> memref<56x128xf32, #tpu.memory_space<hbm>>
      %dma_start3A_774 = arith.constant 0 : i32
      %dma_start3A_775 = arith.constant 0 : i32
      %dma_start3A_776 = tpu.memref_slice %dma_start3A_773[%dma_start3A_774, %dma_start3A_775] : memref<56x128xf32, #tpu.memory_space<hbm>> -> memref<50x32xf32, #tpu.memory_space<hbm>>
      %dma_start3A_777 = arith.constant 0 : i32
      %dma_start3A_778 = arith.constant 0 : i32
      %dma_start3A_779 = arith.constant 0 : i32
      %dma_start3A_780 = tpu.memref_slice %arg6[%rem3A_471, %dma_start3A_777, %dma_start3A_778, %dma_start3A_779] : memref<2x8x50x32xf32, #tpu.memory_space<vmem>> -> memref<1x8x50x32xf32, #tpu.memory_space<vmem>>
      %dma_start3A_781 = tpu.memref_squeeze %dma_start3A_780 : memref<1x8x50x32xf32, #tpu.memory_space<vmem>> -> memref<8x50x32xf32, #tpu.memory_space<vmem>>
      %dma_start3A_782 = arith.constant 0 : i32
      %dma_start3A_783 = arith.constant 0 : i32
      %dma_start3A_784 = tpu.memref_slice %dma_start3A_781[%dma_start3A_753, %dma_start3A_782, %dma_start3A_783] : memref<8x50x32xf32, #tpu.memory_space<vmem>> -> memref<1x50x32xf32, #tpu.memory_space<vmem>>
      %dma_start3A_785 = tpu.memref_squeeze %dma_start3A_784 : memref<1x50x32xf32, #tpu.memory_space<vmem>> -> memref<50x32xf32, #tpu.memory_space<vmem>>
      tpu.enqueue_dma source(%dma_start3A_785 : memref<50x32xf32, #tpu.memory_space<vmem>>) target(%dma_start3A_776 : memref<50x32xf32, #tpu.memory_space<hbm>>) target_semaphore(%arg8 : memref<!tpu.dma_semaphore, #tpu.memory_space<semaphore_mem>>)
      %mul3A_786 = arith.constant 8 : i32
      %mul3A_787 = arith.muli %scan3A_469, %mul3A_786 : i32
      %add3A_788 = arith.addi %mul3A_2, %mul3A_787 : i32
      %add3A_789 = arith.constant 4 : i32
      %add3A_790 = arith.addi %add3A_788, %add3A_789 : i32
      %dma_start3A_791 = arith.constant 4 : i32
      %dma_start3A_792 = arith.constant 0 : i32
      %dma_start3A_793 = arith.constant 0 : i32
      %dma_start3A_794 = arith.constant 0 : i32
      %dma_start3A_795 = tpu.memref_slice %arg6[%rem3A_471, %dma_start3A_792, %dma_start3A_793, %dma_start3A_794] : memref<2x8x50x32xf32, #tpu.memory_space<vmem>> -> memref<1x8x50x32xf32, #tpu.memory_space<vmem>>
      %dma_start3A_796 = tpu.memref_squeeze %dma_start3A_795 : memref<1x8x50x32xf32, #tpu.memory_space<vmem>> -> memref<8x50x32xf32, #tpu.memory_space<vmem>>
      %dma_start3A_797 = arith.constant 0 : i32
      %dma_start3A_798 = arith.constant 0 : i32
      %dma_start3A_799 = tpu.memref_slice %dma_start3A_796[%dma_start3A_791, %dma_start3A_797, %dma_start3A_798] : memref<8x50x32xf32, #tpu.memory_space<vmem>> -> memref<1x50x32xf32, #tpu.memory_space<vmem>>
      %dma_start3A_800 = tpu.memref_squeeze %dma_start3A_799 : memref<1x50x32xf32, #tpu.memory_space<vmem>> -> memref<50x32xf32, #tpu.memory_space<vmem>>
      %dma_start3A_801 = arith.constant 0 : i32
      %dma_start3A_802 = arith.constant 0 : i32
      %dma_start3A_803 = tpu.memref_slice %arg4[%add3A_790, %dma_start3A_801, %dma_start3A_802] : memref<16384x56x128xf32, #tpu.memory_space<hbm>> -> memref<1x56x128xf32, #tpu.memory_space<hbm>>
      %dma_start3A_804 = tpu.memref_squeeze %dma_start3A_803 : memref<1x56x128xf32, #tpu.memory_space<hbm>> -> memref<56x128xf32, #tpu.memory_space<hbm>>
      %dma_start3A_805 = arith.constant 0 : i32
      %dma_start3A_806 = arith.constant 0 : i32
      %dma_start3A_807 = tpu.memref_slice %dma_start3A_804[%dma_start3A_805, %dma_start3A_806] : memref<56x128xf32, #tpu.memory_space<hbm>> -> memref<50x32xf32, #tpu.memory_space<hbm>>
      %dma_start3A_808 = arith.constant 0 : i32
      %dma_start3A_809 = arith.constant 0 : i32
      %dma_start3A_810 = tpu.memref_slice %arg4[%add3A_790, %dma_start3A_808, %dma_start3A_809] : memref<16384x56x128xf32, #tpu.memory_space<hbm>> -> memref<1x56x128xf32, #tpu.memory_space<hbm>>
      %dma_start3A_811 = tpu.memref_squeeze %dma_start3A_810 : memref<1x56x128xf32, #tpu.memory_space<hbm>> -> memref<56x128xf32, #tpu.memory_space<hbm>>
      %dma_start3A_812 = arith.constant 0 : i32
      %dma_start3A_813 = arith.constant 0 : i32
      %dma_start3A_814 = tpu.memref_slice %dma_start3A_811[%dma_start3A_812, %dma_start3A_813] : memref<56x128xf32, #tpu.memory_space<hbm>> -> memref<50x32xf32, #tpu.memory_space<hbm>>
      %dma_start3A_815 = arith.constant 0 : i32
      %dma_start3A_816 = arith.constant 0 : i32
      %dma_start3A_817 = arith.constant 0 : i32
      %dma_start3A_818 = tpu.memref_slice %arg6[%rem3A_471, %dma_start3A_815, %dma_start3A_816, %dma_start3A_817] : memref<2x8x50x32xf32, #tpu.memory_space<vmem>> -> memref<1x8x50x32xf32, #tpu.memory_space<vmem>>
      %dma_start3A_819 = tpu.memref_squeeze %dma_start3A_818 : memref<1x8x50x32xf32, #tpu.memory_space<vmem>> -> memref<8x50x32xf32, #tpu.memory_space<vmem>>
      %dma_start3A_820 = arith.constant 0 : i32
      %dma_start3A_821 = arith.constant 0 : i32
      %dma_start3A_822 = tpu.memref_slice %dma_start3A_819[%dma_start3A_791, %dma_start3A_820, %dma_start3A_821] : memref<8x50x32xf32, #tpu.memory_space<vmem>> -> memref<1x50x32xf32, #tpu.memory_space<vmem>>
      %dma_start3A_823 = tpu.memref_squeeze %dma_start3A_822 : memref<1x50x32xf32, #tpu.memory_space<vmem>> -> memref<50x32xf32, #tpu.memory_space<vmem>>
      tpu.enqueue_dma source(%dma_start3A_823 : memref<50x32xf32, #tpu.memory_space<vmem>>) target(%dma_start3A_814 : memref<50x32xf32, #tpu.memory_space<hbm>>) target_semaphore(%arg8 : memref<!tpu.dma_semaphore, #tpu.memory_space<semaphore_mem>>)
      %mul3A_824 = arith.constant 8 : i32
      %mul3A_825 = arith.muli %scan3A_469, %mul3A_824 : i32
      %add3A_826 = arith.addi %mul3A_2, %mul3A_825 : i32
      %add3A_827 = arith.constant 5 : i32
      %add3A_828 = arith.addi %add3A_826, %add3A_827 : i32
      %dma_start3A_829 = arith.constant 5 : i32
      %dma_start3A_830 = arith.constant 0 : i32
      %dma_start3A_831 = arith.constant 0 : i32
      %dma_start3A_832 = arith.constant 0 : i32
      %dma_start3A_833 = tpu.memref_slice %arg6[%rem3A_471, %dma_start3A_830, %dma_start3A_831, %dma_start3A_832] : memref<2x8x50x32xf32, #tpu.memory_space<vmem>> -> memref<1x8x50x32xf32, #tpu.memory_space<vmem>>
      %dma_start3A_834 = tpu.memref_squeeze %dma_start3A_833 : memref<1x8x50x32xf32, #tpu.memory_space<vmem>> -> memref<8x50x32xf32, #tpu.memory_space<vmem>>
      %dma_start3A_835 = arith.constant 0 : i32
      %dma_start3A_836 = arith.constant 0 : i32
      %dma_start3A_837 = tpu.memref_slice %dma_start3A_834[%dma_start3A_829, %dma_start3A_835, %dma_start3A_836] : memref<8x50x32xf32, #tpu.memory_space<vmem>> -> memref<1x50x32xf32, #tpu.memory_space<vmem>>
      %dma_start3A_838 = tpu.memref_squeeze %dma_start3A_837 : memref<1x50x32xf32, #tpu.memory_space<vmem>> -> memref<50x32xf32, #tpu.memory_space<vmem>>
      %dma_start3A_839 = arith.constant 0 : i32
      %dma_start3A_840 = arith.constant 0 : i32
      %dma_start3A_841 = tpu.memref_slice %arg4[%add3A_828, %dma_start3A_839, %dma_start3A_840] : memref<16384x56x128xf32, #tpu.memory_space<hbm>> -> memref<1x56x128xf32, #tpu.memory_space<hbm>>
      %dma_start3A_842 = tpu.memref_squeeze %dma_start3A_841 : memref<1x56x128xf32, #tpu.memory_space<hbm>> -> memref<56x128xf32, #tpu.memory_space<hbm>>
      %dma_start3A_843 = arith.constant 0 : i32
      %dma_start3A_844 = arith.constant 0 : i32
      %dma_start3A_845 = tpu.memref_slice %dma_start3A_842[%dma_start3A_843, %dma_start3A_844] : memref<56x128xf32, #tpu.memory_space<hbm>> -> memref<50x32xf32, #tpu.memory_space<hbm>>
      %dma_start3A_846 = arith.constant 0 : i32
      %dma_start3A_847 = arith.constant 0 : i32
      %dma_start3A_848 = tpu.memref_slice %arg4[%add3A_828, %dma_start3A_846, %dma_start3A_847] : memref<16384x56x128xf32, #tpu.memory_space<hbm>> -> memref<1x56x128xf32, #tpu.memory_space<hbm>>
      %dma_start3A_849 = tpu.memref_squeeze %dma_start3A_848 : memref<1x56x128xf32, #tpu.memory_space<hbm>> -> memref<56x128xf32, #tpu.memory_space<hbm>>
      %dma_start3A_850 = arith.constant 0 : i32
      %dma_start3A_851 = arith.constant 0 : i32
      %dma_start3A_852 = tpu.memref_slice %dma_start3A_849[%dma_start3A_850, %dma_start3A_851] : memref<56x128xf32, #tpu.memory_space<hbm>> -> memref<50x32xf32, #tpu.memory_space<hbm>>
      %dma_start3A_853 = arith.constant 0 : i32
      %dma_start3A_854 = arith.constant 0 : i32
      %dma_start3A_855 = arith.constant 0 : i32
      %dma_start3A_856 = tpu.memref_slice %arg6[%rem3A_471, %dma_start3A_853, %dma_start3A_854, %dma_start3A_855] : memref<2x8x50x32xf32, #tpu.memory_space<vmem>> -> memref<1x8x50x32xf32, #tpu.memory_space<vmem>>
      %dma_start3A_857 = tpu.memref_squeeze %dma_start3A_856 : memref<1x8x50x32xf32, #tpu.memory_space<vmem>> -> memref<8x50x32xf32, #tpu.memory_space<vmem>>
      %dma_start3A_858 = arith.constant 0 : i32
      %dma_start3A_859 = arith.constant 0 : i32
      %dma_start3A_860 = tpu.memref_slice %dma_start3A_857[%dma_start3A_829, %dma_start3A_858, %dma_start3A_859] : memref<8x50x32xf32, #tpu.memory_space<vmem>> -> memref<1x50x32xf32, #tpu.memory_space<vmem>>
      %dma_start3A_861 = tpu.memref_squeeze %dma_start3A_860 : memref<1x50x32xf32, #tpu.memory_space<vmem>> -> memref<50x32xf32, #tpu.memory_space<vmem>>
      tpu.enqueue_dma source(%dma_start3A_861 : memref<50x32xf32, #tpu.memory_space<vmem>>) target(%dma_start3A_852 : memref<50x32xf32, #tpu.memory_space<hbm>>) target_semaphore(%arg8 : memref<!tpu.dma_semaphore, #tpu.memory_space<semaphore_mem>>)
      %mul3A_862 = arith.constant 8 : i32
      %mul3A_863 = arith.muli %scan3A_469, %mul3A_862 : i32
      %add3A_864 = arith.addi %mul3A_2, %mul3A_863 : i32
      %add3A_865 = arith.constant 6 : i32
      %add3A_866 = arith.addi %add3A_864, %add3A_865 : i32
      %dma_start3A_867 = arith.constant 6 : i32
      %dma_start3A_868 = arith.constant 0 : i32
      %dma_start3A_869 = arith.constant 0 : i32
      %dma_start3A_870 = arith.constant 0 : i32
      %dma_start3A_871 = tpu.memref_slice %arg6[%rem3A_471, %dma_start3A_868, %dma_start3A_869, %dma_start3A_870] : memref<2x8x50x32xf32, #tpu.memory_space<vmem>> -> memref<1x8x50x32xf32, #tpu.memory_space<vmem>>
      %dma_start3A_872 = tpu.memref_squeeze %dma_start3A_871 : memref<1x8x50x32xf32, #tpu.memory_space<vmem>> -> memref<8x50x32xf32, #tpu.memory_space<vmem>>
      %dma_start3A_873 = arith.constant 0 : i32
      %dma_start3A_874 = arith.constant 0 : i32
      %dma_start3A_875 = tpu.memref_slice %dma_start3A_872[%dma_start3A_867, %dma_start3A_873, %dma_start3A_874] : memref<8x50x32xf32, #tpu.memory_space<vmem>> -> memref<1x50x32xf32, #tpu.memory_space<vmem>>
      %dma_start3A_876 = tpu.memref_squeeze %dma_start3A_875 : memref<1x50x32xf32, #tpu.memory_space<vmem>> -> memref<50x32xf32, #tpu.memory_space<vmem>>
      %dma_start3A_877 = arith.constant 0 : i32
      %dma_start3A_878 = arith.constant 0 : i32
      %dma_start3A_879 = tpu.memref_slice %arg4[%add3A_866, %dma_start3A_877, %dma_start3A_878] : memref<16384x56x128xf32, #tpu.memory_space<hbm>> -> memref<1x56x128xf32, #tpu.memory_space<hbm>>
      %dma_start3A_880 = tpu.memref_squeeze %dma_start3A_879 : memref<1x56x128xf32, #tpu.memory_space<hbm>> -> memref<56x128xf32, #tpu.memory_space<hbm>>
      %dma_start3A_881 = arith.constant 0 : i32
      %dma_start3A_882 = arith.constant 0 : i32
      %dma_start3A_883 = tpu.memref_slice %dma_start3A_880[%dma_start3A_881, %dma_start3A_882] : memref<56x128xf32, #tpu.memory_space<hbm>> -> memref<50x32xf32, #tpu.memory_space<hbm>>
      %dma_start3A_884 = arith.constant 0 : i32
      %dma_start3A_885 = arith.constant 0 : i32
      %dma_start3A_886 = tpu.memref_slice %arg4[%add3A_866, %dma_start3A_884, %dma_start3A_885] : memref<16384x56x128xf32, #tpu.memory_space<hbm>> -> memref<1x56x128xf32, #tpu.memory_space<hbm>>
      %dma_start3A_887 = tpu.memref_squeeze %dma_start3A_886 : memref<1x56x128xf32, #tpu.memory_space<hbm>> -> memref<56x128xf32, #tpu.memory_space<hbm>>
      %dma_start3A_888 = arith.constant 0 : i32
      %dma_start3A_889 = arith.constant 0 : i32
      %dma_start3A_890 = tpu.memref_slice %dma_start3A_887[%dma_start3A_888, %dma_start3A_889] : memref<56x128xf32, #tpu.memory_space<hbm>> -> memref<50x32xf32, #tpu.memory_space<hbm>>
      %dma_start3A_891 = arith.constant 0 : i32
      %dma_start3A_892 = arith.constant 0 : i32
      %dma_start3A_893 = arith.constant 0 : i32
      %dma_start3A_894 = tpu.memref_slice %arg6[%rem3A_471, %dma_start3A_891, %dma_start3A_892, %dma_start3A_893] : memref<2x8x50x32xf32, #tpu.memory_space<vmem>> -> memref<1x8x50x32xf32, #tpu.memory_space<vmem>>
      %dma_start3A_895 = tpu.memref_squeeze %dma_start3A_894 : memref<1x8x50x32xf32, #tpu.memory_space<vmem>> -> memref<8x50x32xf32, #tpu.memory_space<vmem>>
      %dma_start3A_896 = arith.constant 0 : i32
      %dma_start3A_897 = arith.constant 0 : i32
      %dma_start3A_898 = tpu.memref_slice %dma_start3A_895[%dma_start3A_867, %dma_start3A_896, %dma_start3A_897] : memref<8x50x32xf32, #tpu.memory_space<vmem>> -> memref<1x50x32xf32, #tpu.memory_space<vmem>>
      %dma_start3A_899 = tpu.memref_squeeze %dma_start3A_898 : memref<1x50x32xf32, #tpu.memory_space<vmem>> -> memref<50x32xf32, #tpu.memory_space<vmem>>
      tpu.enqueue_dma source(%dma_start3A_899 : memref<50x32xf32, #tpu.memory_space<vmem>>) target(%dma_start3A_890 : memref<50x32xf32, #tpu.memory_space<hbm>>) target_semaphore(%arg8 : memref<!tpu.dma_semaphore, #tpu.memory_space<semaphore_mem>>)
      %mul3A_900 = arith.constant 8 : i32
      %mul3A_901 = arith.muli %scan3A_469, %mul3A_900 : i32
      %add3A_902 = arith.addi %mul3A_2, %mul3A_901 : i32
      %add3A_903 = arith.constant 7 : i32
      %add3A_904 = arith.addi %add3A_902, %add3A_903 : i32
      %dma_start3A_905 = arith.constant 7 : i32
      %dma_start3A_906 = arith.constant 0 : i32
      %dma_start3A_907 = arith.constant 0 : i32
      %dma_start3A_908 = arith.constant 0 : i32
      %dma_start3A_909 = tpu.memref_slice %arg6[%rem3A_471, %dma_start3A_906, %dma_start3A_907, %dma_start3A_908] : memref<2x8x50x32xf32, #tpu.memory_space<vmem>> -> memref<1x8x50x32xf32, #tpu.memory_space<vmem>>
      %dma_start3A_910 = tpu.memref_squeeze %dma_start3A_909 : memref<1x8x50x32xf32, #tpu.memory_space<vmem>> -> memref<8x50x32xf32, #tpu.memory_space<vmem>>
      %dma_start3A_911 = arith.constant 0 : i32
      %dma_start3A_912 = arith.constant 0 : i32
      %dma_start3A_913 = tpu.memref_slice %dma_start3A_910[%dma_start3A_905, %dma_start3A_911, %dma_start3A_912] : memref<8x50x32xf32, #tpu.memory_space<vmem>> -> memref<1x50x32xf32, #tpu.memory_space<vmem>>
      %dma_start3A_914 = tpu.memref_squeeze %dma_start3A_913 : memref<1x50x32xf32, #tpu.memory_space<vmem>> -> memref<50x32xf32, #tpu.memory_space<vmem>>
      %dma_start3A_915 = arith.constant 0 : i32
      %dma_start3A_916 = arith.constant 0 : i32
      %dma_start3A_917 = tpu.memref_slice %arg4[%add3A_904, %dma_start3A_915, %dma_start3A_916] : memref<16384x56x128xf32, #tpu.memory_space<hbm>> -> memref<1x56x128xf32, #tpu.memory_space<hbm>>
      %dma_start3A_918 = tpu.memref_squeeze %dma_start3A_917 : memref<1x56x128xf32, #tpu.memory_space<hbm>> -> memref<56x128xf32, #tpu.memory_space<hbm>>
      %dma_start3A_919 = arith.constant 0 : i32
      %dma_start3A_920 = arith.constant 0 : i32
      %dma_start3A_921 = tpu.memref_slice %dma_start3A_918[%dma_start3A_919, %dma_start3A_920] : memref<56x128xf32, #tpu.memory_space<hbm>> -> memref<50x32xf32, #tpu.memory_space<hbm>>
      %dma_start3A_922 = arith.constant 0 : i32
      %dma_start3A_923 = arith.constant 0 : i32
      %dma_start3A_924 = tpu.memref_slice %arg4[%add3A_904, %dma_start3A_922, %dma_start3A_923] : memref<16384x56x128xf32, #tpu.memory_space<hbm>> -> memref<1x56x128xf32, #tpu.memory_space<hbm>>
      %dma_start3A_925 = tpu.memref_squeeze %dma_start3A_924 : memref<1x56x128xf32, #tpu.memory_space<hbm>> -> memref<56x128xf32, #tpu.memory_space<hbm>>
      %dma_start3A_926 = arith.constant 0 : i32
      %dma_start3A_927 = arith.constant 0 : i32
      %dma_start3A_928 = tpu.memref_slice %dma_start3A_925[%dma_start3A_926, %dma_start3A_927] : memref<56x128xf32, #tpu.memory_space<hbm>> -> memref<50x32xf32, #tpu.memory_space<hbm>>
      %dma_start3A_929 = arith.constant 0 : i32
      %dma_start3A_930 = arith.constant 0 : i32
      %dma_start3A_931 = arith.constant 0 : i32
      %dma_start3A_932 = tpu.memref_slice %arg6[%rem3A_471, %dma_start3A_929, %dma_start3A_930, %dma_start3A_931] : memref<2x8x50x32xf32, #tpu.memory_space<vmem>> -> memref<1x8x50x32xf32, #tpu.memory_space<vmem>>
      %dma_start3A_933 = tpu.memref_squeeze %dma_start3A_932 : memref<1x8x50x32xf32, #tpu.memory_space<vmem>> -> memref<8x50x32xf32, #tpu.memory_space<vmem>>
      %dma_start3A_934 = arith.constant 0 : i32
      %dma_start3A_935 = arith.constant 0 : i32
      %dma_start3A_936 = tpu.memref_slice %dma_start3A_933[%dma_start3A_905, %dma_start3A_934, %dma_start3A_935] : memref<8x50x32xf32, #tpu.memory_space<vmem>> -> memref<1x50x32xf32, #tpu.memory_space<vmem>>
      %dma_start3A_937 = tpu.memref_squeeze %dma_start3A_936 : memref<1x50x32xf32, #tpu.memory_space<vmem>> -> memref<50x32xf32, #tpu.memory_space<vmem>>
      tpu.enqueue_dma source(%dma_start3A_937 : memref<50x32xf32, #tpu.memory_space<vmem>>) target(%dma_start3A_928 : memref<50x32xf32, #tpu.memory_space<hbm>>) target_semaphore(%arg8 : memref<!tpu.dma_semaphore, #tpu.memory_space<semaphore_mem>>)
      %add3A_938 = arith.constant 1 : i32
      %add3A_939 = arith.addi %scan3A_469, %add3A_938 : i32
      %lt3A = arith.constant 64 : i32
      %lt3A_940 = arith.cmpi slt, %add3A_939, %lt3A : i32
      %convert_element_type3A_941 = arith.extui %lt3A_940 : i1 to i32
      %cond3A_942 = arith.constant 0 : i32
      %cond3A_943 = arith.cmpi ne, %convert_element_type3A_941, %cond3A_942 : i32
      scf.if %cond3A_943 {
        %add3A_944 = arith.constant 1 : i32
        %add3A_945 = arith.addi %scan3A_469, %add3A_944 : i32
        %sub3A = arith.constant 1 : i32
        %sub3A_946 = arith.subi %sub3A, %rem3A_471 : i32
        %mul3A_947 = arith.constant 8 : i32
        %mul3A_948 = arith.muli %add3A_945, %mul3A_947 : i32
        %add3A_949 = arith.constant 0 : i32
        %add3A_950 = arith.addi %mul3A_948, %add3A_949 : i32
        %dma_start3A_951 = arith.constant 0 : i32
        %dma_start3A_952 = arith.constant 0 : i32
        %dma_start3A_953 = arith.constant 0 : i32
        %dma_start3A_954 = arith.constant 0 : i32
        %dma_start3A_955 = tpu.memref_slice %arg6[%sub3A_946, %dma_start3A_952, %dma_start3A_953, %dma_start3A_954] : memref<2x8x50x32xf32, #tpu.memory_space<vmem>> -> memref<1x8x50x32xf32, #tpu.memory_space<vmem>>
        %dma_start3A_956 = tpu.memref_squeeze %dma_start3A_955 : memref<1x8x50x32xf32, #tpu.memory_space<vmem>> -> memref<8x50x32xf32, #tpu.memory_space<vmem>>
        %dma_start3A_957 = arith.constant 0 : i32
        %dma_start3A_958 = arith.constant 0 : i32
        %dma_start3A_959 = tpu.memref_slice %dma_start3A_956[%dma_start3A_951, %dma_start3A_957, %dma_start3A_958] : memref<8x50x32xf32, #tpu.memory_space<vmem>> -> memref<1x50x32xf32, #tpu.memory_space<vmem>>
        %dma_start3A_960 = tpu.memref_squeeze %dma_start3A_959 : memref<1x50x32xf32, #tpu.memory_space<vmem>> -> memref<50x32xf32, #tpu.memory_space<vmem>>
        %dma_start3A_961 = arith.constant 0 : i32
        %dma_start3A_962 = tpu.memref_slice %arg5[%add3A_950, %dma_start3A_961] : memref<512x50xi32, #tpu.memory_space<vmem>> -> memref<1x50xi32, #tpu.memory_space<vmem>>
        %dma_start3A_963 = tpu.memref_squeeze %dma_start3A_962 : memref<1x50xi32, #tpu.memory_space<vmem>> -> memref<50xi32, #tpu.memory_space<vmem>>
        %dma_start3A_964 = arith.constant 0 : i32
        %dma_start3A_965 = arith.constant 0 : i32
        %dma_start3A_966 = tpu.memref_slice %arg3[%dma_start3A_964, %dma_start3A_965] : memref<1000000x32xf32, #tpu.memory_space<hbm>> -> memref<1000000x32xf32, #tpu.memory_space<hbm>>
        tpu.enqueue_indirect_dma source(%dma_start3A_966 : memref<1000000x32xf32, #tpu.memory_space<hbm>>) target(%dma_start3A_960 : memref<50x32xf32, #tpu.memory_space<vmem>>) offsets(%dma_start3A_963 : memref<50xi32, #tpu.memory_space<vmem>>) semaphore(%arg7 : memref<!tpu.dma_semaphore, #tpu.memory_space<semaphore_mem>>)
        %add3A_967 = arith.constant 1 : i32
        %add3A_968 = arith.addi %scan3A_469, %add3A_967 : i32
        %sub3A_969 = arith.constant 1 : i32
        %sub3A_970 = arith.subi %sub3A_969, %rem3A_471 : i32
        %mul3A_971 = arith.constant 8 : i32
        %mul3A_972 = arith.muli %add3A_968, %mul3A_971 : i32
        %add3A_973 = arith.constant 1 : i32
        %add3A_974 = arith.addi %mul3A_972, %add3A_973 : i32
        %dma_start3A_975 = arith.constant 1 : i32
        %dma_start3A_976 = arith.constant 0 : i32
        %dma_start3A_977 = arith.constant 0 : i32
        %dma_start3A_978 = arith.constant 0 : i32
        %dma_start3A_979 = tpu.memref_slice %arg6[%sub3A_970, %dma_start3A_976, %dma_start3A_977, %dma_start3A_978] : memref<2x8x50x32xf32, #tpu.memory_space<vmem>> -> memref<1x8x50x32xf32, #tpu.memory_space<vmem>>
        %dma_start3A_980 = tpu.memref_squeeze %dma_start3A_979 : memref<1x8x50x32xf32, #tpu.memory_space<vmem>> -> memref<8x50x32xf32, #tpu.memory_space<vmem>>
        %dma_start3A_981 = arith.constant 0 : i32
        %dma_start3A_982 = arith.constant 0 : i32
        %dma_start3A_983 = tpu.memref_slice %dma_start3A_980[%dma_start3A_975, %dma_start3A_981, %dma_start3A_982] : memref<8x50x32xf32, #tpu.memory_space<vmem>> -> memref<1x50x32xf32, #tpu.memory_space<vmem>>
        %dma_start3A_984 = tpu.memref_squeeze %dma_start3A_983 : memref<1x50x32xf32, #tpu.memory_space<vmem>> -> memref<50x32xf32, #tpu.memory_space<vmem>>
        %dma_start3A_985 = arith.constant 0 : i32
        %dma_start3A_986 = tpu.memref_slice %arg5[%add3A_974, %dma_start3A_985] : memref<512x50xi32, #tpu.memory_space<vmem>> -> memref<1x50xi32, #tpu.memory_space<vmem>>
        %dma_start3A_987 = tpu.memref_squeeze %dma_start3A_986 : memref<1x50xi32, #tpu.memory_space<vmem>> -> memref<50xi32, #tpu.memory_space<vmem>>
        %dma_start3A_988 = arith.constant 0 : i32
        %dma_start3A_989 = arith.constant 0 : i32
        %dma_start3A_990 = tpu.memref_slice %arg3[%dma_start3A_988, %dma_start3A_989] : memref<1000000x32xf32, #tpu.memory_space<hbm>> -> memref<1000000x32xf32, #tpu.memory_space<hbm>>
        tpu.enqueue_indirect_dma source(%dma_start3A_990 : memref<1000000x32xf32, #tpu.memory_space<hbm>>) target(%dma_start3A_984 : memref<50x32xf32, #tpu.memory_space<vmem>>) offsets(%dma_start3A_987 : memref<50xi32, #tpu.memory_space<vmem>>) semaphore(%arg7 : memref<!tpu.dma_semaphore, #tpu.memory_space<semaphore_mem>>)
        %add3A_991 = arith.constant 1 : i32
        %add3A_992 = arith.addi %scan3A_469, %add3A_991 : i32
        %sub3A_993 = arith.constant 1 : i32
        %sub3A_994 = arith.subi %sub3A_993, %rem3A_471 : i32
        %mul3A_995 = arith.constant 8 : i32
        %mul3A_996 = arith.muli %add3A_992, %mul3A_995 : i32
        %add3A_997 = arith.constant 2 : i32
        %add3A_998 = arith.addi %mul3A_996, %add3A_997 : i32
        %dma_start3A_999 = arith.constant 2 : i32
        %dma_start3A_1000 = arith.constant 0 : i32
        %dma_start3A_1001 = arith.constant 0 : i32
        %dma_start3A_1002 = arith.constant 0 : i32
        %dma_start3A_1003 = tpu.memref_slice %arg6[%sub3A_994, %dma_start3A_1000, %dma_start3A_1001, %dma_start3A_1002] : memref<2x8x50x32xf32, #tpu.memory_space<vmem>> -> memref<1x8x50x32xf32, #tpu.memory_space<vmem>>
        %dma_start3A_1004 = tpu.memref_squeeze %dma_start3A_1003 : memref<1x8x50x32xf32, #tpu.memory_space<vmem>> -> memref<8x50x32xf32, #tpu.memory_space<vmem>>
        %dma_start3A_1005 = arith.constant 0 : i32
        %dma_start3A_1006 = arith.constant 0 : i32
        %dma_start3A_1007 = tpu.memref_slice %dma_start3A_1004[%dma_start3A_999, %dma_start3A_1005, %dma_start3A_1006] : memref<8x50x32xf32, #tpu.memory_space<vmem>> -> memref<1x50x32xf32, #tpu.memory_space<vmem>>
        %dma_start3A_1008 = tpu.memref_squeeze %dma_start3A_1007 : memref<1x50x32xf32, #tpu.memory_space<vmem>> -> memref<50x32xf32, #tpu.memory_space<vmem>>
        %dma_start3A_1009 = arith.constant 0 : i32
        %dma_start3A_1010 = tpu.memref_slice %arg5[%add3A_998, %dma_start3A_1009] : memref<512x50xi32, #tpu.memory_space<vmem>> -> memref<1x50xi32, #tpu.memory_space<vmem>>
        %dma_start3A_1011 = tpu.memref_squeeze %dma_start3A_1010 : memref<1x50xi32, #tpu.memory_space<vmem>> -> memref<50xi32, #tpu.memory_space<vmem>>
        %dma_start3A_1012 = arith.constant 0 : i32
        %dma_start3A_1013 = arith.constant 0 : i32
        %dma_start3A_1014 = tpu.memref_slice %arg3[%dma_start3A_1012, %dma_start3A_1013] : memref<1000000x32xf32, #tpu.memory_space<hbm>> -> memref<1000000x32xf32, #tpu.memory_space<hbm>>
        tpu.enqueue_indirect_dma source(%dma_start3A_1014 : memref<1000000x32xf32, #tpu.memory_space<hbm>>) target(%dma_start3A_1008 : memref<50x32xf32, #tpu.memory_space<vmem>>) offsets(%dma_start3A_1011 : memref<50xi32, #tpu.memory_space<vmem>>) semaphore(%arg7 : memref<!tpu.dma_semaphore, #tpu.memory_space<semaphore_mem>>)
        %add3A_1015 = arith.constant 1 : i32
        %add3A_1016 = arith.addi %scan3A_469, %add3A_1015 : i32
        %sub3A_1017 = arith.constant 1 : i32
        %sub3A_1018 = arith.subi %sub3A_1017, %rem3A_471 : i32
        %mul3A_1019 = arith.constant 8 : i32
        %mul3A_1020 = arith.muli %add3A_1016, %mul3A_1019 : i32
        %add3A_1021 = arith.constant 3 : i32
        %add3A_1022 = arith.addi %mul3A_1020, %add3A_1021 : i32
        %dma_start3A_1023 = arith.constant 3 : i32
        %dma_start3A_1024 = arith.constant 0 : i32
        %dma_start3A_1025 = arith.constant 0 : i32
        %dma_start3A_1026 = arith.constant 0 : i32
        %dma_start3A_1027 = tpu.memref_slice %arg6[%sub3A_1018, %dma_start3A_1024, %dma_start3A_1025, %dma_start3A_1026] : memref<2x8x50x32xf32, #tpu.memory_space<vmem>> -> memref<1x8x50x32xf32, #tpu.memory_space<vmem>>
        %dma_start3A_1028 = tpu.memref_squeeze %dma_start3A_1027 : memref<1x8x50x32xf32, #tpu.memory_space<vmem>> -> memref<8x50x32xf32, #tpu.memory_space<vmem>>
        %dma_start3A_1029 = arith.constant 0 : i32
        %dma_start3A_1030 = arith.constant 0 : i32
        %dma_start3A_1031 = tpu.memref_slice %dma_start3A_1028[%dma_start3A_1023, %dma_start3A_1029, %dma_start3A_1030] : memref<8x50x32xf32, #tpu.memory_space<vmem>> -> memref<1x50x32xf32, #tpu.memory_space<vmem>>
        %dma_start3A_1032 = tpu.memref_squeeze %dma_start3A_1031 : memref<1x50x32xf32, #tpu.memory_space<vmem>> -> memref<50x32xf32, #tpu.memory_space<vmem>>
        %dma_start3A_1033 = arith.constant 0 : i32
        %dma_start3A_1034 = tpu.memref_slice %arg5[%add3A_1022, %dma_start3A_1033] : memref<512x50xi32, #tpu.memory_space<vmem>> -> memref<1x50xi32, #tpu.memory_space<vmem>>
        %dma_start3A_1035 = tpu.memref_squeeze %dma_start3A_1034 : memref<1x50xi32, #tpu.memory_space<vmem>> -> memref<50xi32, #tpu.memory_space<vmem>>
        %dma_start3A_1036 = arith.constant 0 : i32
        %dma_start3A_1037 = arith.constant 0 : i32
        %dma_start3A_1038 = tpu.memref_slice %arg3[%dma_start3A_1036, %dma_start3A_1037] : memref<1000000x32xf32, #tpu.memory_space<hbm>> -> memref<1000000x32xf32, #tpu.memory_space<hbm>>
        tpu.enqueue_indirect_dma source(%dma_start3A_1038 : memref<1000000x32xf32, #tpu.memory_space<hbm>>) target(%dma_start3A_1032 : memref<50x32xf32, #tpu.memory_space<vmem>>) offsets(%dma_start3A_1035 : memref<50xi32, #tpu.memory_space<vmem>>) semaphore(%arg7 : memref<!tpu.dma_semaphore, #tpu.memory_space<semaphore_mem>>)
        %add3A_1039 = arith.constant 1 : i32
        %add3A_1040 = arith.addi %scan3A_469, %add3A_1039 : i32
        %sub3A_1041 = arith.constant 1 : i32
        %sub3A_1042 = arith.subi %sub3A_1041, %rem3A_471 : i32
        %mul3A_1043 = arith.constant 8 : i32
        %mul3A_1044 = arith.muli %add3A_1040, %mul3A_1043 : i32
        %add3A_1045 = arith.constant 4 : i32
        %add3A_1046 = arith.addi %mul3A_1044, %add3A_1045 : i32
        %dma_start3A_1047 = arith.constant 4 : i32
        %dma_start3A_1048 = arith.constant 0 : i32
        %dma_start3A_1049 = arith.constant 0 : i32
        %dma_start3A_1050 = arith.constant 0 : i32
        %dma_start3A_1051 = tpu.memref_slice %arg6[%sub3A_1042, %dma_start3A_1048, %dma_start3A_1049, %dma_start3A_1050] : memref<2x8x50x32xf32, #tpu.memory_space<vmem>> -> memref<1x8x50x32xf32, #tpu.memory_space<vmem>>
        %dma_start3A_1052 = tpu.memref_squeeze %dma_start3A_1051 : memref<1x8x50x32xf32, #tpu.memory_space<vmem>> -> memref<8x50x32xf32, #tpu.memory_space<vmem>>
        %dma_start3A_1053 = arith.constant 0 : i32
        %dma_start3A_1054 = arith.constant 0 : i32
        %dma_start3A_1055 = tpu.memref_slice %dma_start3A_1052[%dma_start3A_1047, %dma_start3A_1053, %dma_start3A_1054] : memref<8x50x32xf32, #tpu.memory_space<vmem>> -> memref<1x50x32xf32, #tpu.memory_space<vmem>>
        %dma_start3A_1056 = tpu.memref_squeeze %dma_start3A_1055 : memref<1x50x32xf32, #tpu.memory_space<vmem>> -> memref<50x32xf32, #tpu.memory_space<vmem>>
        %dma_start3A_1057 = arith.constant 0 : i32
        %dma_start3A_1058 = tpu.memref_slice %arg5[%add3A_1046, %dma_start3A_1057] : memref<512x50xi32, #tpu.memory_space<vmem>> -> memref<1x50xi32, #tpu.memory_space<vmem>>
        %dma_start3A_1059 = tpu.memref_squeeze %dma_start3A_1058 : memref<1x50xi32, #tpu.memory_space<vmem>> -> memref<50xi32, #tpu.memory_space<vmem>>
        %dma_start3A_1060 = arith.constant 0 : i32
        %dma_start3A_1061 = arith.constant 0 : i32
        %dma_start3A_1062 = tpu.memref_slice %arg3[%dma_start3A_1060, %dma_start3A_1061] : memref<1000000x32xf32, #tpu.memory_space<hbm>> -> memref<1000000x32xf32, #tpu.memory_space<hbm>>
        tpu.enqueue_indirect_dma source(%dma_start3A_1062 : memref<1000000x32xf32, #tpu.memory_space<hbm>>) target(%dma_start3A_1056 : memref<50x32xf32, #tpu.memory_space<vmem>>) offsets(%dma_start3A_1059 : memref<50xi32, #tpu.memory_space<vmem>>) semaphore(%arg7 : memref<!tpu.dma_semaphore, #tpu.memory_space<semaphore_mem>>)
        %add3A_1063 = arith.constant 1 : i32
        %add3A_1064 = arith.addi %scan3A_469, %add3A_1063 : i32
        %sub3A_1065 = arith.constant 1 : i32
        %sub3A_1066 = arith.subi %sub3A_1065, %rem3A_471 : i32
        %mul3A_1067 = arith.constant 8 : i32
        %mul3A_1068 = arith.muli %add3A_1064, %mul3A_1067 : i32
        %add3A_1069 = arith.constant 5 : i32
        %add3A_1070 = arith.addi %mul3A_1068, %add3A_1069 : i32
        %dma_start3A_1071 = arith.constant 5 : i32
        %dma_start3A_1072 = arith.constant 0 : i32
        %dma_start3A_1073 = arith.constant 0 : i32
        %dma_start3A_1074 = arith.constant 0 : i32
        %dma_start3A_1075 = tpu.memref_slice %arg6[%sub3A_1066, %dma_start3A_1072, %dma_start3A_1073, %dma_start3A_1074] : memref<2x8x50x32xf32, #tpu.memory_space<vmem>> -> memref<1x8x50x32xf32, #tpu.memory_space<vmem>>
        %dma_start3A_1076 = tpu.memref_squeeze %dma_start3A_1075 : memref<1x8x50x32xf32, #tpu.memory_space<vmem>> -> memref<8x50x32xf32, #tpu.memory_space<vmem>>
        %dma_start3A_1077 = arith.constant 0 : i32
        %dma_start3A_1078 = arith.constant 0 : i32
        %dma_start3A_1079 = tpu.memref_slice %dma_start3A_1076[%dma_start3A_1071, %dma_start3A_1077, %dma_start3A_1078] : memref<8x50x32xf32, #tpu.memory_space<vmem>> -> memref<1x50x32xf32, #tpu.memory_space<vmem>>
        %dma_start3A_1080 = tpu.memref_squeeze %dma_start3A_1079 : memref<1x50x32xf32, #tpu.memory_space<vmem>> -> memref<50x32xf32, #tpu.memory_space<vmem>>
        %dma_start3A_1081 = arith.constant 0 : i32
        %dma_start3A_1082 = tpu.memref_slice %arg5[%add3A_1070, %dma_start3A_1081] : memref<512x50xi32, #tpu.memory_space<vmem>> -> memref<1x50xi32, #tpu.memory_space<vmem>>
        %dma_start3A_1083 = tpu.memref_squeeze %dma_start3A_1082 : memref<1x50xi32, #tpu.memory_space<vmem>> -> memref<50xi32, #tpu.memory_space<vmem>>
        %dma_start3A_1084 = arith.constant 0 : i32
        %dma_start3A_1085 = arith.constant 0 : i32
        %dma_start3A_1086 = tpu.memref_slice %arg3[%dma_start3A_1084, %dma_start3A_1085] : memref<1000000x32xf32, #tpu.memory_space<hbm>> -> memref<1000000x32xf32, #tpu.memory_space<hbm>>
        tpu.enqueue_indirect_dma source(%dma_start3A_1086 : memref<1000000x32xf32, #tpu.memory_space<hbm>>) target(%dma_start3A_1080 : memref<50x32xf32, #tpu.memory_space<vmem>>) offsets(%dma_start3A_1083 : memref<50xi32, #tpu.memory_space<vmem>>) semaphore(%arg7 : memref<!tpu.dma_semaphore, #tpu.memory_space<semaphore_mem>>)
        %add3A_1087 = arith.constant 1 : i32
        %add3A_1088 = arith.addi %scan3A_469, %add3A_1087 : i32
        %sub3A_1089 = arith.constant 1 : i32
        %sub3A_1090 = arith.subi %sub3A_1089, %rem3A_471 : i32
        %mul3A_1091 = arith.constant 8 : i32
        %mul3A_1092 = arith.muli %add3A_1088, %mul3A_1091 : i32
        %add3A_1093 = arith.constant 6 : i32
        %add3A_1094 = arith.addi %mul3A_1092, %add3A_1093 : i32
        %dma_start3A_1095 = arith.constant 6 : i32
        %dma_start3A_1096 = arith.constant 0 : i32
        %dma_start3A_1097 = arith.constant 0 : i32
        %dma_start3A_1098 = arith.constant 0 : i32
        %dma_start3A_1099 = tpu.memref_slice %arg6[%sub3A_1090, %dma_start3A_1096, %dma_start3A_1097, %dma_start3A_1098] : memref<2x8x50x32xf32, #tpu.memory_space<vmem>> -> memref<1x8x50x32xf32, #tpu.memory_space<vmem>>
        %dma_start3A_1100 = tpu.memref_squeeze %dma_start3A_1099 : memref<1x8x50x32xf32, #tpu.memory_space<vmem>> -> memref<8x50x32xf32, #tpu.memory_space<vmem>>
        %dma_start3A_1101 = arith.constant 0 : i32
        %dma_start3A_1102 = arith.constant 0 : i32
        %dma_start3A_1103 = tpu.memref_slice %dma_start3A_1100[%dma_start3A_1095, %dma_start3A_1101, %dma_start3A_1102] : memref<8x50x32xf32, #tpu.memory_space<vmem>> -> memref<1x50x32xf32, #tpu.memory_space<vmem>>
        %dma_start3A_1104 = tpu.memref_squeeze %dma_start3A_1103 : memref<1x50x32xf32, #tpu.memory_space<vmem>> -> memref<50x32xf32, #tpu.memory_space<vmem>>
        %dma_start3A_1105 = arith.constant 0 : i32
        %dma_start3A_1106 = tpu.memref_slice %arg5[%add3A_1094, %dma_start3A_1105] : memref<512x50xi32, #tpu.memory_space<vmem>> -> memref<1x50xi32, #tpu.memory_space<vmem>>
        %dma_start3A_1107 = tpu.memref_squeeze %dma_start3A_1106 : memref<1x50xi32, #tpu.memory_space<vmem>> -> memref<50xi32, #tpu.memory_space<vmem>>
        %dma_start3A_1108 = arith.constant 0 : i32
        %dma_start3A_1109 = arith.constant 0 : i32
        %dma_start3A_1110 = tpu.memref_slice %arg3[%dma_start3A_1108, %dma_start3A_1109] : memref<1000000x32xf32, #tpu.memory_space<hbm>> -> memref<1000000x32xf32, #tpu.memory_space<hbm>>
        tpu.enqueue_indirect_dma source(%dma_start3A_1110 : memref<1000000x32xf32, #tpu.memory_space<hbm>>) target(%dma_start3A_1104 : memref<50x32xf32, #tpu.memory_space<vmem>>) offsets(%dma_start3A_1107 : memref<50xi32, #tpu.memory_space<vmem>>) semaphore(%arg7 : memref<!tpu.dma_semaphore, #tpu.memory_space<semaphore_mem>>)
        %add3A_1111 = arith.constant 1 : i32
        %add3A_1112 = arith.addi %scan3A_469, %add3A_1111 : i32
        %sub3A_1113 = arith.constant 1 : i32
        %sub3A_1114 = arith.subi %sub3A_1113, %rem3A_471 : i32
        %mul3A_1115 = arith.constant 8 : i32
        %mul3A_1116 = arith.muli %add3A_1112, %mul3A_1115 : i32
        %add3A_1117 = arith.constant 7 : i32
        %add3A_1118 = arith.addi %mul3A_1116, %add3A_1117 : i32
        %dma_start3A_1119 = arith.constant 7 : i32
        %dma_start3A_1120 = arith.constant 0 : i32
        %dma_start3A_1121 = arith.constant 0 : i32
        %dma_start3A_1122 = arith.constant 0 : i32
        %dma_start3A_1123 = tpu.memref_slice %arg6[%sub3A_1114, %dma_start3A_1120, %dma_start3A_1121, %dma_start3A_1122] : memref<2x8x50x32xf32, #tpu.memory_space<vmem>> -> memref<1x8x50x32xf32, #tpu.memory_space<vmem>>
        %dma_start3A_1124 = tpu.memref_squeeze %dma_start3A_1123 : memref<1x8x50x32xf32, #tpu.memory_space<vmem>> -> memref<8x50x32xf32, #tpu.memory_space<vmem>>
        %dma_start3A_1125 = arith.constant 0 : i32
        %dma_start3A_1126 = arith.constant 0 : i32
        %dma_start3A_1127 = tpu.memref_slice %dma_start3A_1124[%dma_start3A_1119, %dma_start3A_1125, %dma_start3A_1126] : memref<8x50x32xf32, #tpu.memory_space<vmem>> -> memref<1x50x32xf32, #tpu.memory_space<vmem>>
        %dma_start3A_1128 = tpu.memref_squeeze %dma_start3A_1127 : memref<1x50x32xf32, #tpu.memory_space<vmem>> -> memref<50x32xf32, #tpu.memory_space<vmem>>
        %dma_start3A_1129 = arith.constant 0 : i32
        %dma_start3A_1130 = tpu.memref_slice %arg5[%add3A_1118, %dma_start3A_1129] : memref<512x50xi32, #tpu.memory_space<vmem>> -> memref<1x50xi32, #tpu.memory_space<vmem>>
        %dma_start3A_1131 = tpu.memref_squeeze %dma_start3A_1130 : memref<1x50xi32, #tpu.memory_space<vmem>> -> memref<50xi32, #tpu.memory_space<vmem>>
        %dma_start3A_1132 = arith.constant 0 : i32
        %dma_start3A_1133 = arith.constant 0 : i32
        %dma_start3A_1134 = tpu.memref_slice %arg3[%dma_start3A_1132, %dma_start3A_1133] : memref<1000000x32xf32, #tpu.memory_space<hbm>> -> memref<1000000x32xf32, #tpu.memory_space<hbm>>
        tpu.enqueue_indirect_dma source(%dma_start3A_1134 : memref<1000000x32xf32, #tpu.memory_space<hbm>>) target(%dma_start3A_1128 : memref<50x32xf32, #tpu.memory_space<vmem>>) offsets(%dma_start3A_1131 : memref<50xi32, #tpu.memory_space<vmem>>) semaphore(%arg7 : memref<!tpu.dma_semaphore, #tpu.memory_space<semaphore_mem>>)
      } else {
      }
    }
    %scan3A_150 = arith.constant 64 : i32
    %rem3A = arith.constant 63 : i32
    %rem3A_151 = arith.constant 2 : i32
    %rem3A_152 = arith.remsi %rem3A, %rem3A_151 : i32
    %add3A_153 = arith.constant 504 : i32
    %add3A_154 = arith.addi %mul3A_2, %add3A_153 : i32
    %add3A_155 = arith.constant 0 : i32
    %add3A_156 = arith.addi %add3A_154, %add3A_155 : i32
    %dma_wait3A = arith.constant 0 : i32
    %dma_wait3A_157 = arith.constant 0 : i32
    %dma_wait3A_158 = arith.constant 0 : i32
    %dma_wait3A_159 = arith.constant 0 : i32
    %dma_wait3A_160 = tpu.memref_slice %arg6[%rem3A_152, %dma_wait3A_157, %dma_wait3A_158, %dma_wait3A_159] : memref<2x8x50x32xf32, #tpu.memory_space<vmem>> -> memref<1x8x50x32xf32, #tpu.memory_space<vmem>>
    %dma_wait3A_161 = tpu.memref_squeeze %dma_wait3A_160 : memref<1x8x50x32xf32, #tpu.memory_space<vmem>> -> memref<8x50x32xf32, #tpu.memory_space<vmem>>
    %dma_wait3A_162 = arith.constant 0 : i32
    %dma_wait3A_163 = arith.constant 0 : i32
    %dma_wait3A_164 = tpu.memref_slice %dma_wait3A_161[%dma_wait3A, %dma_wait3A_162, %dma_wait3A_163] : memref<8x50x32xf32, #tpu.memory_space<vmem>> -> memref<1x50x32xf32, #tpu.memory_space<vmem>>
    %dma_wait3A_165 = tpu.memref_squeeze %dma_wait3A_164 : memref<1x50x32xf32, #tpu.memory_space<vmem>> -> memref<50x32xf32, #tpu.memory_space<vmem>>
    %dma_wait3A_166 = arith.constant 0 : i32
    %dma_wait3A_167 = arith.constant 0 : i32
    %dma_wait3A_168 = tpu.memref_slice %arg4[%add3A_156, %dma_wait3A_166, %dma_wait3A_167] : memref<16384x56x128xf32, #tpu.memory_space<hbm>> -> memref<1x56x128xf32, #tpu.memory_space<hbm>>
    %dma_wait3A_169 = tpu.memref_squeeze %dma_wait3A_168 : memref<1x56x128xf32, #tpu.memory_space<hbm>> -> memref<56x128xf32, #tpu.memory_space<hbm>>
    %dma_wait3A_170 = arith.constant 0 : i32
    %dma_wait3A_171 = arith.constant 0 : i32
    %dma_wait3A_172 = tpu.memref_slice %dma_wait3A_169[%dma_wait3A_170, %dma_wait3A_171] : memref<56x128xf32, #tpu.memory_space<hbm>> -> memref<50x32xf32, #tpu.memory_space<hbm>>
    %dma_wait3A_173 = arith.constant 0 : i32
    %dma_wait3A_174 = arith.constant 0 : i32
    %dma_wait3A_175 = tpu.memref_slice %arg4[%add3A_156, %dma_wait3A_173, %dma_wait3A_174] : memref<16384x56x128xf32, #tpu.memory_space<hbm>> -> memref<1x56x128xf32, #tpu.memory_space<hbm>>
    %dma_wait3A_176 = tpu.memref_squeeze %dma_wait3A_175 : memref<1x56x128xf32, #tpu.memory_space<hbm>> -> memref<56x128xf32, #tpu.memory_space<hbm>>
    %dma_wait3A_177 = arith.constant 0 : i32
    %dma_wait3A_178 = arith.constant 0 : i32
    %dma_wait3A_179 = tpu.memref_slice %dma_wait3A_176[%dma_wait3A_177, %dma_wait3A_178] : memref<56x128xf32, #tpu.memory_space<hbm>> -> memref<50x32xf32, #tpu.memory_space<hbm>>
    %dma_wait3A_180 = arith.constant 0 : i32
    %dma_wait3A_181 = arith.constant 0 : i32
    %dma_wait3A_182 = arith.constant 0 : i32
    %dma_wait3A_183 = tpu.memref_slice %arg6[%rem3A_152, %dma_wait3A_180, %dma_wait3A_181, %dma_wait3A_182] : memref<2x8x50x32xf32, #tpu.memory_space<vmem>> -> memref<1x8x50x32xf32, #tpu.memory_space<vmem>>
    %dma_wait3A_184 = tpu.memref_squeeze %dma_wait3A_183 : memref<1x8x50x32xf32, #tpu.memory_space<vmem>> -> memref<8x50x32xf32, #tpu.memory_space<vmem>>
    %dma_wait3A_185 = arith.constant 0 : i32
    %dma_wait3A_186 = arith.constant 0 : i32
    %dma_wait3A_187 = tpu.memref_slice %dma_wait3A_184[%dma_wait3A, %dma_wait3A_185, %dma_wait3A_186] : memref<8x50x32xf32, #tpu.memory_space<vmem>> -> memref<1x50x32xf32, #tpu.memory_space<vmem>>
    %dma_wait3A_188 = tpu.memref_squeeze %dma_wait3A_187 : memref<1x50x32xf32, #tpu.memory_space<vmem>> -> memref<50x32xf32, #tpu.memory_space<vmem>>
    tpu.wait_dma2 semaphore(%arg8 : memref<!tpu.dma_semaphore, #tpu.memory_space<semaphore_mem>>) src(%dma_wait3A_188 : memref<50x32xf32, #tpu.memory_space<vmem>>) dst(%dma_wait3A_179 : memref<50x32xf32, #tpu.memory_space<hbm>>)
    %rem3A_189 = arith.constant 63 : i32
    %rem3A_190 = arith.constant 2 : i32
    %rem3A_191 = arith.remsi %rem3A_189, %rem3A_190 : i32
    %add3A_192 = arith.constant 504 : i32
    %add3A_193 = arith.addi %mul3A_2, %add3A_192 : i32
    %add3A_194 = arith.constant 1 : i32
    %add3A_195 = arith.addi %add3A_193, %add3A_194 : i32
    %dma_wait3A_196 = arith.constant 1 : i32
    %dma_wait3A_197 = arith.constant 0 : i32
    %dma_wait3A_198 = arith.constant 0 : i32
    %dma_wait3A_199 = arith.constant 0 : i32
    %dma_wait3A_200 = tpu.memref_slice %arg6[%rem3A_191, %dma_wait3A_197, %dma_wait3A_198, %dma_wait3A_199] : memref<2x8x50x32xf32, #tpu.memory_space<vmem>> -> memref<1x8x50x32xf32, #tpu.memory_space<vmem>>
    %dma_wait3A_201 = tpu.memref_squeeze %dma_wait3A_200 : memref<1x8x50x32xf32, #tpu.memory_space<vmem>> -> memref<8x50x32xf32, #tpu.memory_space<vmem>>
    %dma_wait3A_202 = arith.constant 0 : i32
    %dma_wait3A_203 = arith.constant 0 : i32
    %dma_wait3A_204 = tpu.memref_slice %dma_wait3A_201[%dma_wait3A_196, %dma_wait3A_202, %dma_wait3A_203] : memref<8x50x32xf32, #tpu.memory_space<vmem>> -> memref<1x50x32xf32, #tpu.memory_space<vmem>>
    %dma_wait3A_205 = tpu.memref_squeeze %dma_wait3A_204 : memref<1x50x32xf32, #tpu.memory_space<vmem>> -> memref<50x32xf32, #tpu.memory_space<vmem>>
    %dma_wait3A_206 = arith.constant 0 : i32
    %dma_wait3A_207 = arith.constant 0 : i32
    %dma_wait3A_208 = tpu.memref_slice %arg4[%add3A_195, %dma_wait3A_206, %dma_wait3A_207] : memref<16384x56x128xf32, #tpu.memory_space<hbm>> -> memref<1x56x128xf32, #tpu.memory_space<hbm>>
    %dma_wait3A_209 = tpu.memref_squeeze %dma_wait3A_208 : memref<1x56x128xf32, #tpu.memory_space<hbm>> -> memref<56x128xf32, #tpu.memory_space<hbm>>
    %dma_wait3A_210 = arith.constant 0 : i32
    %dma_wait3A_211 = arith.constant 0 : i32
    %dma_wait3A_212 = tpu.memref_slice %dma_wait3A_209[%dma_wait3A_210, %dma_wait3A_211] : memref<56x128xf32, #tpu.memory_space<hbm>> -> memref<50x32xf32, #tpu.memory_space<hbm>>
    %dma_wait3A_213 = arith.constant 0 : i32
    %dma_wait3A_214 = arith.constant 0 : i32
    %dma_wait3A_215 = tpu.memref_slice %arg4[%add3A_195, %dma_wait3A_213, %dma_wait3A_214] : memref<16384x56x128xf32, #tpu.memory_space<hbm>> -> memref<1x56x128xf32, #tpu.memory_space<hbm>>
    %dma_wait3A_216 = tpu.memref_squeeze %dma_wait3A_215 : memref<1x56x128xf32, #tpu.memory_space<hbm>> -> memref<56x128xf32, #tpu.memory_space<hbm>>
    %dma_wait3A_217 = arith.constant 0 : i32
    %dma_wait3A_218 = arith.constant 0 : i32
    %dma_wait3A_219 = tpu.memref_slice %dma_wait3A_216[%dma_wait3A_217, %dma_wait3A_218] : memref<56x128xf32, #tpu.memory_space<hbm>> -> memref<50x32xf32, #tpu.memory_space<hbm>>
    %dma_wait3A_220 = arith.constant 0 : i32
    %dma_wait3A_221 = arith.constant 0 : i32
    %dma_wait3A_222 = arith.constant 0 : i32
    %dma_wait3A_223 = tpu.memref_slice %arg6[%rem3A_191, %dma_wait3A_220, %dma_wait3A_221, %dma_wait3A_222] : memref<2x8x50x32xf32, #tpu.memory_space<vmem>> -> memref<1x8x50x32xf32, #tpu.memory_space<vmem>>
    %dma_wait3A_224 = tpu.memref_squeeze %dma_wait3A_223 : memref<1x8x50x32xf32, #tpu.memory_space<vmem>> -> memref<8x50x32xf32, #tpu.memory_space<vmem>>
    %dma_wait3A_225 = arith.constant 0 : i32
    %dma_wait3A_226 = arith.constant 0 : i32
    %dma_wait3A_227 = tpu.memref_slice %dma_wait3A_224[%dma_wait3A_196, %dma_wait3A_225, %dma_wait3A_226] : memref<8x50x32xf32, #tpu.memory_space<vmem>> -> memref<1x50x32xf32, #tpu.memory_space<vmem>>
    %dma_wait3A_228 = tpu.memref_squeeze %dma_wait3A_227 : memref<1x50x32xf32, #tpu.memory_space<vmem>> -> memref<50x32xf32, #tpu.memory_space<vmem>>
    tpu.wait_dma2 semaphore(%arg8 : memref<!tpu.dma_semaphore, #tpu.memory_space<semaphore_mem>>) src(%dma_wait3A_228 : memref<50x32xf32, #tpu.memory_space<vmem>>) dst(%dma_wait3A_219 : memref<50x32xf32, #tpu.memory_space<hbm>>)
    %rem3A_229 = arith.constant 63 : i32
    %rem3A_230 = arith.constant 2 : i32
    %rem3A_231 = arith.remsi %rem3A_229, %rem3A_230 : i32
    %add3A_232 = arith.constant 504 : i32
    %add3A_233 = arith.addi %mul3A_2, %add3A_232 : i32
    %add3A_234 = arith.constant 2 : i32
    %add3A_235 = arith.addi %add3A_233, %add3A_234 : i32
    %dma_wait3A_236 = arith.constant 2 : i32
    %dma_wait3A_237 = arith.constant 0 : i32
    %dma_wait3A_238 = arith.constant 0 : i32
    %dma_wait3A_239 = arith.constant 0 : i32
    %dma_wait3A_240 = tpu.memref_slice %arg6[%rem3A_231, %dma_wait3A_237, %dma_wait3A_238, %dma_wait3A_239] : memref<2x8x50x32xf32, #tpu.memory_space<vmem>> -> memref<1x8x50x32xf32, #tpu.memory_space<vmem>>
    %dma_wait3A_241 = tpu.memref_squeeze %dma_wait3A_240 : memref<1x8x50x32xf32, #tpu.memory_space<vmem>> -> memref<8x50x32xf32, #tpu.memory_space<vmem>>
    %dma_wait3A_242 = arith.constant 0 : i32
    %dma_wait3A_243 = arith.constant 0 : i32
    %dma_wait3A_244 = tpu.memref_slice %dma_wait3A_241[%dma_wait3A_236, %dma_wait3A_242, %dma_wait3A_243] : memref<8x50x32xf32, #tpu.memory_space<vmem>> -> memref<1x50x32xf32, #tpu.memory_space<vmem>>
    %dma_wait3A_245 = tpu.memref_squeeze %dma_wait3A_244 : memref<1x50x32xf32, #tpu.memory_space<vmem>> -> memref<50x32xf32, #tpu.memory_space<vmem>>
    %dma_wait3A_246 = arith.constant 0 : i32
    %dma_wait3A_247 = arith.constant 0 : i32
    %dma_wait3A_248 = tpu.memref_slice %arg4[%add3A_235, %dma_wait3A_246, %dma_wait3A_247] : memref<16384x56x128xf32, #tpu.memory_space<hbm>> -> memref<1x56x128xf32, #tpu.memory_space<hbm>>
    %dma_wait3A_249 = tpu.memref_squeeze %dma_wait3A_248 : memref<1x56x128xf32, #tpu.memory_space<hbm>> -> memref<56x128xf32, #tpu.memory_space<hbm>>
    %dma_wait3A_250 = arith.constant 0 : i32
    %dma_wait3A_251 = arith.constant 0 : i32
    %dma_wait3A_252 = tpu.memref_slice %dma_wait3A_249[%dma_wait3A_250, %dma_wait3A_251] : memref<56x128xf32, #tpu.memory_space<hbm>> -> memref<50x32xf32, #tpu.memory_space<hbm>>
    %dma_wait3A_253 = arith.constant 0 : i32
    %dma_wait3A_254 = arith.constant 0 : i32
    %dma_wait3A_255 = tpu.memref_slice %arg4[%add3A_235, %dma_wait3A_253, %dma_wait3A_254] : memref<16384x56x128xf32, #tpu.memory_space<hbm>> -> memref<1x56x128xf32, #tpu.memory_space<hbm>>
    %dma_wait3A_256 = tpu.memref_squeeze %dma_wait3A_255 : memref<1x56x128xf32, #tpu.memory_space<hbm>> -> memref<56x128xf32, #tpu.memory_space<hbm>>
    %dma_wait3A_257 = arith.constant 0 : i32
    %dma_wait3A_258 = arith.constant 0 : i32
    %dma_wait3A_259 = tpu.memref_slice %dma_wait3A_256[%dma_wait3A_257, %dma_wait3A_258] : memref<56x128xf32, #tpu.memory_space<hbm>> -> memref<50x32xf32, #tpu.memory_space<hbm>>
    %dma_wait3A_260 = arith.constant 0 : i32
    %dma_wait3A_261 = arith.constant 0 : i32
    %dma_wait3A_262 = arith.constant 0 : i32
    %dma_wait3A_263 = tpu.memref_slice %arg6[%rem3A_231, %dma_wait3A_260, %dma_wait3A_261, %dma_wait3A_262] : memref<2x8x50x32xf32, #tpu.memory_space<vmem>> -> memref<1x8x50x32xf32, #tpu.memory_space<vmem>>
    %dma_wait3A_264 = tpu.memref_squeeze %dma_wait3A_263 : memref<1x8x50x32xf32, #tpu.memory_space<vmem>> -> memref<8x50x32xf32, #tpu.memory_space<vmem>>
    %dma_wait3A_265 = arith.constant 0 : i32
    %dma_wait3A_266 = arith.constant 0 : i32
    %dma_wait3A_267 = tpu.memref_slice %dma_wait3A_264[%dma_wait3A_236, %dma_wait3A_265, %dma_wait3A_266] : memref<8x50x32xf32, #tpu.memory_space<vmem>> -> memref<1x50x32xf32, #tpu.memory_space<vmem>>
    %dma_wait3A_268 = tpu.memref_squeeze %dma_wait3A_267 : memref<1x50x32xf32, #tpu.memory_space<vmem>> -> memref<50x32xf32, #tpu.memory_space<vmem>>
    tpu.wait_dma2 semaphore(%arg8 : memref<!tpu.dma_semaphore, #tpu.memory_space<semaphore_mem>>) src(%dma_wait3A_268 : memref<50x32xf32, #tpu.memory_space<vmem>>) dst(%dma_wait3A_259 : memref<50x32xf32, #tpu.memory_space<hbm>>)
    %rem3A_269 = arith.constant 63 : i32
    %rem3A_270 = arith.constant 2 : i32
    %rem3A_271 = arith.remsi %rem3A_269, %rem3A_270 : i32
    %add3A_272 = arith.constant 504 : i32
    %add3A_273 = arith.addi %mul3A_2, %add3A_272 : i32
    %add3A_274 = arith.constant 3 : i32
    %add3A_275 = arith.addi %add3A_273, %add3A_274 : i32
    %dma_wait3A_276 = arith.constant 3 : i32
    %dma_wait3A_277 = arith.constant 0 : i32
    %dma_wait3A_278 = arith.constant 0 : i32
    %dma_wait3A_279 = arith.constant 0 : i32
    %dma_wait3A_280 = tpu.memref_slice %arg6[%rem3A_271, %dma_wait3A_277, %dma_wait3A_278, %dma_wait3A_279] : memref<2x8x50x32xf32, #tpu.memory_space<vmem>> -> memref<1x8x50x32xf32, #tpu.memory_space<vmem>>
    %dma_wait3A_281 = tpu.memref_squeeze %dma_wait3A_280 : memref<1x8x50x32xf32, #tpu.memory_space<vmem>> -> memref<8x50x32xf32, #tpu.memory_space<vmem>>
    %dma_wait3A_282 = arith.constant 0 : i32
    %dma_wait3A_283 = arith.constant 0 : i32
    %dma_wait3A_284 = tpu.memref_slice %dma_wait3A_281[%dma_wait3A_276, %dma_wait3A_282, %dma_wait3A_283] : memref<8x50x32xf32, #tpu.memory_space<vmem>> -> memref<1x50x32xf32, #tpu.memory_space<vmem>>
    %dma_wait3A_285 = tpu.memref_squeeze %dma_wait3A_284 : memref<1x50x32xf32, #tpu.memory_space<vmem>> -> memref<50x32xf32, #tpu.memory_space<vmem>>
    %dma_wait3A_286 = arith.constant 0 : i32
    %dma_wait3A_287 = arith.constant 0 : i32
    %dma_wait3A_288 = tpu.memref_slice %arg4[%add3A_275, %dma_wait3A_286, %dma_wait3A_287] : memref<16384x56x128xf32, #tpu.memory_space<hbm>> -> memref<1x56x128xf32, #tpu.memory_space<hbm>>
    %dma_wait3A_289 = tpu.memref_squeeze %dma_wait3A_288 : memref<1x56x128xf32, #tpu.memory_space<hbm>> -> memref<56x128xf32, #tpu.memory_space<hbm>>
    %dma_wait3A_290 = arith.constant 0 : i32
    %dma_wait3A_291 = arith.constant 0 : i32
    %dma_wait3A_292 = tpu.memref_slice %dma_wait3A_289[%dma_wait3A_290, %dma_wait3A_291] : memref<56x128xf32, #tpu.memory_space<hbm>> -> memref<50x32xf32, #tpu.memory_space<hbm>>
    %dma_wait3A_293 = arith.constant 0 : i32
    %dma_wait3A_294 = arith.constant 0 : i32
    %dma_wait3A_295 = tpu.memref_slice %arg4[%add3A_275, %dma_wait3A_293, %dma_wait3A_294] : memref<16384x56x128xf32, #tpu.memory_space<hbm>> -> memref<1x56x128xf32, #tpu.memory_space<hbm>>
    %dma_wait3A_296 = tpu.memref_squeeze %dma_wait3A_295 : memref<1x56x128xf32, #tpu.memory_space<hbm>> -> memref<56x128xf32, #tpu.memory_space<hbm>>
    %dma_wait3A_297 = arith.constant 0 : i32
    %dma_wait3A_298 = arith.constant 0 : i32
    %dma_wait3A_299 = tpu.memref_slice %dma_wait3A_296[%dma_wait3A_297, %dma_wait3A_298] : memref<56x128xf32, #tpu.memory_space<hbm>> -> memref<50x32xf32, #tpu.memory_space<hbm>>
    %dma_wait3A_300 = arith.constant 0 : i32
    %dma_wait3A_301 = arith.constant 0 : i32
    %dma_wait3A_302 = arith.constant 0 : i32
    %dma_wait3A_303 = tpu.memref_slice %arg6[%rem3A_271, %dma_wait3A_300, %dma_wait3A_301, %dma_wait3A_302] : memref<2x8x50x32xf32, #tpu.memory_space<vmem>> -> memref<1x8x50x32xf32, #tpu.memory_space<vmem>>
    %dma_wait3A_304 = tpu.memref_squeeze %dma_wait3A_303 : memref<1x8x50x32xf32, #tpu.memory_space<vmem>> -> memref<8x50x32xf32, #tpu.memory_space<vmem>>
    %dma_wait3A_305 = arith.constant 0 : i32
    %dma_wait3A_306 = arith.constant 0 : i32
    %dma_wait3A_307 = tpu.memref_slice %dma_wait3A_304[%dma_wait3A_276, %dma_wait3A_305, %dma_wait3A_306] : memref<8x50x32xf32, #tpu.memory_space<vmem>> -> memref<1x50x32xf32, #tpu.memory_space<vmem>>
    %dma_wait3A_308 = tpu.memref_squeeze %dma_wait3A_307 : memref<1x50x32xf32, #tpu.memory_space<vmem>> -> memref<50x32xf32, #tpu.memory_space<vmem>>
    tpu.wait_dma2 semaphore(%arg8 : memref<!tpu.dma_semaphore, #tpu.memory_space<semaphore_mem>>) src(%dma_wait3A_308 : memref<50x32xf32, #tpu.memory_space<vmem>>) dst(%dma_wait3A_299 : memref<50x32xf32, #tpu.memory_space<hbm>>)
    %rem3A_309 = arith.constant 63 : i32
    %rem3A_310 = arith.constant 2 : i32
    %rem3A_311 = arith.remsi %rem3A_309, %rem3A_310 : i32
    %add3A_312 = arith.constant 504 : i32
    %add3A_313 = arith.addi %mul3A_2, %add3A_312 : i32
    %add3A_314 = arith.constant 4 : i32
    %add3A_315 = arith.addi %add3A_313, %add3A_314 : i32
    %dma_wait3A_316 = arith.constant 4 : i32
    %dma_wait3A_317 = arith.constant 0 : i32
    %dma_wait3A_318 = arith.constant 0 : i32
    %dma_wait3A_319 = arith.constant 0 : i32
    %dma_wait3A_320 = tpu.memref_slice %arg6[%rem3A_311, %dma_wait3A_317, %dma_wait3A_318, %dma_wait3A_319] : memref<2x8x50x32xf32, #tpu.memory_space<vmem>> -> memref<1x8x50x32xf32, #tpu.memory_space<vmem>>
    %dma_wait3A_321 = tpu.memref_squeeze %dma_wait3A_320 : memref<1x8x50x32xf32, #tpu.memory_space<vmem>> -> memref<8x50x32xf32, #tpu.memory_space<vmem>>
    %dma_wait3A_322 = arith.constant 0 : i32
    %dma_wait3A_323 = arith.constant 0 : i32
    %dma_wait3A_324 = tpu.memref_slice %dma_wait3A_321[%dma_wait3A_316, %dma_wait3A_322, %dma_wait3A_323] : memref<8x50x32xf32, #tpu.memory_space<vmem>> -> memref<1x50x32xf32, #tpu.memory_space<vmem>>
    %dma_wait3A_325 = tpu.memref_squeeze %dma_wait3A_324 : memref<1x50x32xf32, #tpu.memory_space<vmem>> -> memref<50x32xf32, #tpu.memory_space<vmem>>
    %dma_wait3A_326 = arith.constant 0 : i32
    %dma_wait3A_327 = arith.constant 0 : i32
    %dma_wait3A_328 = tpu.memref_slice %arg4[%add3A_315, %dma_wait3A_326, %dma_wait3A_327] : memref<16384x56x128xf32, #tpu.memory_space<hbm>> -> memref<1x56x128xf32, #tpu.memory_space<hbm>>
    %dma_wait3A_329 = tpu.memref_squeeze %dma_wait3A_328 : memref<1x56x128xf32, #tpu.memory_space<hbm>> -> memref<56x128xf32, #tpu.memory_space<hbm>>
    %dma_wait3A_330 = arith.constant 0 : i32
    %dma_wait3A_331 = arith.constant 0 : i32
    %dma_wait3A_332 = tpu.memref_slice %dma_wait3A_329[%dma_wait3A_330, %dma_wait3A_331] : memref<56x128xf32, #tpu.memory_space<hbm>> -> memref<50x32xf32, #tpu.memory_space<hbm>>
    %dma_wait3A_333 = arith.constant 0 : i32
    %dma_wait3A_334 = arith.constant 0 : i32
    %dma_wait3A_335 = tpu.memref_slice %arg4[%add3A_315, %dma_wait3A_333, %dma_wait3A_334] : memref<16384x56x128xf32, #tpu.memory_space<hbm>> -> memref<1x56x128xf32, #tpu.memory_space<hbm>>
    %dma_wait3A_336 = tpu.memref_squeeze %dma_wait3A_335 : memref<1x56x128xf32, #tpu.memory_space<hbm>> -> memref<56x128xf32, #tpu.memory_space<hbm>>
    %dma_wait3A_337 = arith.constant 0 : i32
    %dma_wait3A_338 = arith.constant 0 : i32
    %dma_wait3A_339 = tpu.memref_slice %dma_wait3A_336[%dma_wait3A_337, %dma_wait3A_338] : memref<56x128xf32, #tpu.memory_space<hbm>> -> memref<50x32xf32, #tpu.memory_space<hbm>>
    %dma_wait3A_340 = arith.constant 0 : i32
    %dma_wait3A_341 = arith.constant 0 : i32
    %dma_wait3A_342 = arith.constant 0 : i32
    %dma_wait3A_343 = tpu.memref_slice %arg6[%rem3A_311, %dma_wait3A_340, %dma_wait3A_341, %dma_wait3A_342] : memref<2x8x50x32xf32, #tpu.memory_space<vmem>> -> memref<1x8x50x32xf32, #tpu.memory_space<vmem>>
    %dma_wait3A_344 = tpu.memref_squeeze %dma_wait3A_343 : memref<1x8x50x32xf32, #tpu.memory_space<vmem>> -> memref<8x50x32xf32, #tpu.memory_space<vmem>>
    %dma_wait3A_345 = arith.constant 0 : i32
    %dma_wait3A_346 = arith.constant 0 : i32
    %dma_wait3A_347 = tpu.memref_slice %dma_wait3A_344[%dma_wait3A_316, %dma_wait3A_345, %dma_wait3A_346] : memref<8x50x32xf32, #tpu.memory_space<vmem>> -> memref<1x50x32xf32, #tpu.memory_space<vmem>>
    %dma_wait3A_348 = tpu.memref_squeeze %dma_wait3A_347 : memref<1x50x32xf32, #tpu.memory_space<vmem>> -> memref<50x32xf32, #tpu.memory_space<vmem>>
    tpu.wait_dma2 semaphore(%arg8 : memref<!tpu.dma_semaphore, #tpu.memory_space<semaphore_mem>>) src(%dma_wait3A_348 : memref<50x32xf32, #tpu.memory_space<vmem>>) dst(%dma_wait3A_339 : memref<50x32xf32, #tpu.memory_space<hbm>>)
    %rem3A_349 = arith.constant 63 : i32
    %rem3A_350 = arith.constant 2 : i32
    %rem3A_351 = arith.remsi %rem3A_349, %rem3A_350 : i32
    %add3A_352 = arith.constant 504 : i32
    %add3A_353 = arith.addi %mul3A_2, %add3A_352 : i32
    %add3A_354 = arith.constant 5 : i32
    %add3A_355 = arith.addi %add3A_353, %add3A_354 : i32
    %dma_wait3A_356 = arith.constant 5 : i32
    %dma_wait3A_357 = arith.constant 0 : i32
    %dma_wait3A_358 = arith.constant 0 : i32
    %dma_wait3A_359 = arith.constant 0 : i32
    %dma_wait3A_360 = tpu.memref_slice %arg6[%rem3A_351, %dma_wait3A_357, %dma_wait3A_358, %dma_wait3A_359] : memref<2x8x50x32xf32, #tpu.memory_space<vmem>> -> memref<1x8x50x32xf32, #tpu.memory_space<vmem>>
    %dma_wait3A_361 = tpu.memref_squeeze %dma_wait3A_360 : memref<1x8x50x32xf32, #tpu.memory_space<vmem>> -> memref<8x50x32xf32, #tpu.memory_space<vmem>>
    %dma_wait3A_362 = arith.constant 0 : i32
    %dma_wait3A_363 = arith.constant 0 : i32
    %dma_wait3A_364 = tpu.memref_slice %dma_wait3A_361[%dma_wait3A_356, %dma_wait3A_362, %dma_wait3A_363] : memref<8x50x32xf32, #tpu.memory_space<vmem>> -> memref<1x50x32xf32, #tpu.memory_space<vmem>>
    %dma_wait3A_365 = tpu.memref_squeeze %dma_wait3A_364 : memref<1x50x32xf32, #tpu.memory_space<vmem>> -> memref<50x32xf32, #tpu.memory_space<vmem>>
    %dma_wait3A_366 = arith.constant 0 : i32
    %dma_wait3A_367 = arith.constant 0 : i32
    %dma_wait3A_368 = tpu.memref_slice %arg4[%add3A_355, %dma_wait3A_366, %dma_wait3A_367] : memref<16384x56x128xf32, #tpu.memory_space<hbm>> -> memref<1x56x128xf32, #tpu.memory_space<hbm>>
    %dma_wait3A_369 = tpu.memref_squeeze %dma_wait3A_368 : memref<1x56x128xf32, #tpu.memory_space<hbm>> -> memref<56x128xf32, #tpu.memory_space<hbm>>
    %dma_wait3A_370 = arith.constant 0 : i32
    %dma_wait3A_371 = arith.constant 0 : i32
    %dma_wait3A_372 = tpu.memref_slice %dma_wait3A_369[%dma_wait3A_370, %dma_wait3A_371] : memref<56x128xf32, #tpu.memory_space<hbm>> -> memref<50x32xf32, #tpu.memory_space<hbm>>
    %dma_wait3A_373 = arith.constant 0 : i32
    %dma_wait3A_374 = arith.constant 0 : i32
    %dma_wait3A_375 = tpu.memref_slice %arg4[%add3A_355, %dma_wait3A_373, %dma_wait3A_374] : memref<16384x56x128xf32, #tpu.memory_space<hbm>> -> memref<1x56x128xf32, #tpu.memory_space<hbm>>
    %dma_wait3A_376 = tpu.memref_squeeze %dma_wait3A_375 : memref<1x56x128xf32, #tpu.memory_space<hbm>> -> memref<56x128xf32, #tpu.memory_space<hbm>>
    %dma_wait3A_377 = arith.constant 0 : i32
    %dma_wait3A_378 = arith.constant 0 : i32
    %dma_wait3A_379 = tpu.memref_slice %dma_wait3A_376[%dma_wait3A_377, %dma_wait3A_378] : memref<56x128xf32, #tpu.memory_space<hbm>> -> memref<50x32xf32, #tpu.memory_space<hbm>>
    %dma_wait3A_380 = arith.constant 0 : i32
    %dma_wait3A_381 = arith.constant 0 : i32
    %dma_wait3A_382 = arith.constant 0 : i32
    %dma_wait3A_383 = tpu.memref_slice %arg6[%rem3A_351, %dma_wait3A_380, %dma_wait3A_381, %dma_wait3A_382] : memref<2x8x50x32xf32, #tpu.memory_space<vmem>> -> memref<1x8x50x32xf32, #tpu.memory_space<vmem>>
    %dma_wait3A_384 = tpu.memref_squeeze %dma_wait3A_383 : memref<1x8x50x32xf32, #tpu.memory_space<vmem>> -> memref<8x50x32xf32, #tpu.memory_space<vmem>>
    %dma_wait3A_385 = arith.constant 0 : i32
    %dma_wait3A_386 = arith.constant 0 : i32
    %dma_wait3A_387 = tpu.memref_slice %dma_wait3A_384[%dma_wait3A_356, %dma_wait3A_385, %dma_wait3A_386] : memref<8x50x32xf32, #tpu.memory_space<vmem>> -> memref<1x50x32xf32, #tpu.memory_space<vmem>>
    %dma_wait3A_388 = tpu.memref_squeeze %dma_wait3A_387 : memref<1x50x32xf32, #tpu.memory_space<vmem>> -> memref<50x32xf32, #tpu.memory_space<vmem>>
    tpu.wait_dma2 semaphore(%arg8 : memref<!tpu.dma_semaphore, #tpu.memory_space<semaphore_mem>>) src(%dma_wait3A_388 : memref<50x32xf32, #tpu.memory_space<vmem>>) dst(%dma_wait3A_379 : memref<50x32xf32, #tpu.memory_space<hbm>>)
    %rem3A_389 = arith.constant 63 : i32
    %rem3A_390 = arith.constant 2 : i32
    %rem3A_391 = arith.remsi %rem3A_389, %rem3A_390 : i32
    %add3A_392 = arith.constant 504 : i32
    %add3A_393 = arith.addi %mul3A_2, %add3A_392 : i32
    %add3A_394 = arith.constant 6 : i32
    %add3A_395 = arith.addi %add3A_393, %add3A_394 : i32
    %dma_wait3A_396 = arith.constant 6 : i32
    %dma_wait3A_397 = arith.constant 0 : i32
    %dma_wait3A_398 = arith.constant 0 : i32
    %dma_wait3A_399 = arith.constant 0 : i32
    %dma_wait3A_400 = tpu.memref_slice %arg6[%rem3A_391, %dma_wait3A_397, %dma_wait3A_398, %dma_wait3A_399] : memref<2x8x50x32xf32, #tpu.memory_space<vmem>> -> memref<1x8x50x32xf32, #tpu.memory_space<vmem>>
    %dma_wait3A_401 = tpu.memref_squeeze %dma_wait3A_400 : memref<1x8x50x32xf32, #tpu.memory_space<vmem>> -> memref<8x50x32xf32, #tpu.memory_space<vmem>>
    %dma_wait3A_402 = arith.constant 0 : i32
    %dma_wait3A_403 = arith.constant 0 : i32
    %dma_wait3A_404 = tpu.memref_slice %dma_wait3A_401[%dma_wait3A_396, %dma_wait3A_402, %dma_wait3A_403] : memref<8x50x32xf32, #tpu.memory_space<vmem>> -> memref<1x50x32xf32, #tpu.memory_space<vmem>>
    %dma_wait3A_405 = tpu.memref_squeeze %dma_wait3A_404 : memref<1x50x32xf32, #tpu.memory_space<vmem>> -> memref<50x32xf32, #tpu.memory_space<vmem>>
    %dma_wait3A_406 = arith.constant 0 : i32
    %dma_wait3A_407 = arith.constant 0 : i32
    %dma_wait3A_408 = tpu.memref_slice %arg4[%add3A_395, %dma_wait3A_406, %dma_wait3A_407] : memref<16384x56x128xf32, #tpu.memory_space<hbm>> -> memref<1x56x128xf32, #tpu.memory_space<hbm>>
    %dma_wait3A_409 = tpu.memref_squeeze %dma_wait3A_408 : memref<1x56x128xf32, #tpu.memory_space<hbm>> -> memref<56x128xf32, #tpu.memory_space<hbm>>
    %dma_wait3A_410 = arith.constant 0 : i32
    %dma_wait3A_411 = arith.constant 0 : i32
    %dma_wait3A_412 = tpu.memref_slice %dma_wait3A_409[%dma_wait3A_410, %dma_wait3A_411] : memref<56x128xf32, #tpu.memory_space<hbm>> -> memref<50x32xf32, #tpu.memory_space<hbm>>
    %dma_wait3A_413 = arith.constant 0 : i32
    %dma_wait3A_414 = arith.constant 0 : i32
    %dma_wait3A_415 = tpu.memref_slice %arg4[%add3A_395, %dma_wait3A_413, %dma_wait3A_414] : memref<16384x56x128xf32, #tpu.memory_space<hbm>> -> memref<1x56x128xf32, #tpu.memory_space<hbm>>
    %dma_wait3A_416 = tpu.memref_squeeze %dma_wait3A_415 : memref<1x56x128xf32, #tpu.memory_space<hbm>> -> memref<56x128xf32, #tpu.memory_space<hbm>>
    %dma_wait3A_417 = arith.constant 0 : i32
    %dma_wait3A_418 = arith.constant 0 : i32
    %dma_wait3A_419 = tpu.memref_slice %dma_wait3A_416[%dma_wait3A_417, %dma_wait3A_418] : memref<56x128xf32, #tpu.memory_space<hbm>> -> memref<50x32xf32, #tpu.memory_space<hbm>>
    %dma_wait3A_420 = arith.constant 0 : i32
    %dma_wait3A_421 = arith.constant 0 : i32
    %dma_wait3A_422 = arith.constant 0 : i32
    %dma_wait3A_423 = tpu.memref_slice %arg6[%rem3A_391, %dma_wait3A_420, %dma_wait3A_421, %dma_wait3A_422] : memref<2x8x50x32xf32, #tpu.memory_space<vmem>> -> memref<1x8x50x32xf32, #tpu.memory_space<vmem>>
    %dma_wait3A_424 = tpu.memref_squeeze %dma_wait3A_423 : memref<1x8x50x32xf32, #tpu.memory_space<vmem>> -> memref<8x50x32xf32, #tpu.memory_space<vmem>>
    %dma_wait3A_425 = arith.constant 0 : i32
    %dma_wait3A_426 = arith.constant 0 : i32
    %dma_wait3A_427 = tpu.memref_slice %dma_wait3A_424[%dma_wait3A_396, %dma_wait3A_425, %dma_wait3A_426] : memref<8x50x32xf32, #tpu.memory_space<vmem>> -> memref<1x50x32xf32, #tpu.memory_space<vmem>>
    %dma_wait3A_428 = tpu.memref_squeeze %dma_wait3A_427 : memref<1x50x32xf32, #tpu.memory_space<vmem>> -> memref<50x32xf32, #tpu.memory_space<vmem>>
    tpu.wait_dma2 semaphore(%arg8 : memref<!tpu.dma_semaphore, #tpu.memory_space<semaphore_mem>>) src(%dma_wait3A_428 : memref<50x32xf32, #tpu.memory_space<vmem>>) dst(%dma_wait3A_419 : memref<50x32xf32, #tpu.memory_space<hbm>>)
    %rem3A_429 = arith.constant 63 : i32
    %rem3A_430 = arith.constant 2 : i32
    %rem3A_431 = arith.remsi %rem3A_429, %rem3A_430 : i32
    %add3A_432 = arith.constant 504 : i32
    %add3A_433 = arith.addi %mul3A_2, %add3A_432 : i32
    %add3A_434 = arith.constant 7 : i32
    %add3A_435 = arith.addi %add3A_433, %add3A_434 : i32
    %dma_wait3A_436 = arith.constant 7 : i32
    %dma_wait3A_437 = arith.constant 0 : i32
    %dma_wait3A_438 = arith.constant 0 : i32
    %dma_wait3A_439 = arith.constant 0 : i32
    %dma_wait3A_440 = tpu.memref_slice %arg6[%rem3A_431, %dma_wait3A_437, %dma_wait3A_438, %dma_wait3A_439] : memref<2x8x50x32xf32, #tpu.memory_space<vmem>> -> memref<1x8x50x32xf32, #tpu.memory_space<vmem>>
    %dma_wait3A_441 = tpu.memref_squeeze %dma_wait3A_440 : memref<1x8x50x32xf32, #tpu.memory_space<vmem>> -> memref<8x50x32xf32, #tpu.memory_space<vmem>>
    %dma_wait3A_442 = arith.constant 0 : i32
    %dma_wait3A_443 = arith.constant 0 : i32
    %dma_wait3A_444 = tpu.memref_slice %dma_wait3A_441[%dma_wait3A_436, %dma_wait3A_442, %dma_wait3A_443] : memref<8x50x32xf32, #tpu.memory_space<vmem>> -> memref<1x50x32xf32, #tpu.memory_space<vmem>>
    %dma_wait3A_445 = tpu.memref_squeeze %dma_wait3A_444 : memref<1x50x32xf32, #tpu.memory_space<vmem>> -> memref<50x32xf32, #tpu.memory_space<vmem>>
    %dma_wait3A_446 = arith.constant 0 : i32
    %dma_wait3A_447 = arith.constant 0 : i32
    %dma_wait3A_448 = tpu.memref_slice %arg4[%add3A_435, %dma_wait3A_446, %dma_wait3A_447] : memref<16384x56x128xf32, #tpu.memory_space<hbm>> -> memref<1x56x128xf32, #tpu.memory_space<hbm>>
    %dma_wait3A_449 = tpu.memref_squeeze %dma_wait3A_448 : memref<1x56x128xf32, #tpu.memory_space<hbm>> -> memref<56x128xf32, #tpu.memory_space<hbm>>
    %dma_wait3A_450 = arith.constant 0 : i32
    %dma_wait3A_451 = arith.constant 0 : i32
    %dma_wait3A_452 = tpu.memref_slice %dma_wait3A_449[%dma_wait3A_450, %dma_wait3A_451] : memref<56x128xf32, #tpu.memory_space<hbm>> -> memref<50x32xf32, #tpu.memory_space<hbm>>
    %dma_wait3A_453 = arith.constant 0 : i32
    %dma_wait3A_454 = arith.constant 0 : i32
    %dma_wait3A_455 = tpu.memref_slice %arg4[%add3A_435, %dma_wait3A_453, %dma_wait3A_454] : memref<16384x56x128xf32, #tpu.memory_space<hbm>> -> memref<1x56x128xf32, #tpu.memory_space<hbm>>
    %dma_wait3A_456 = tpu.memref_squeeze %dma_wait3A_455 : memref<1x56x128xf32, #tpu.memory_space<hbm>> -> memref<56x128xf32, #tpu.memory_space<hbm>>
    %dma_wait3A_457 = arith.constant 0 : i32
    %dma_wait3A_458 = arith.constant 0 : i32
    %dma_wait3A_459 = tpu.memref_slice %dma_wait3A_456[%dma_wait3A_457, %dma_wait3A_458] : memref<56x128xf32, #tpu.memory_space<hbm>> -> memref<50x32xf32, #tpu.memory_space<hbm>>
    %dma_wait3A_460 = arith.constant 0 : i32
    %dma_wait3A_461 = arith.constant 0 : i32
    %dma_wait3A_462 = arith.constant 0 : i32
    %dma_wait3A_463 = tpu.memref_slice %arg6[%rem3A_431, %dma_wait3A_460, %dma_wait3A_461, %dma_wait3A_462] : memref<2x8x50x32xf32, #tpu.memory_space<vmem>> -> memref<1x8x50x32xf32, #tpu.memory_space<vmem>>
    %dma_wait3A_464 = tpu.memref_squeeze %dma_wait3A_463 : memref<1x8x50x32xf32, #tpu.memory_space<vmem>> -> memref<8x50x32xf32, #tpu.memory_space<vmem>>
    %dma_wait3A_465 = arith.constant 0 : i32
    %dma_wait3A_466 = arith.constant 0 : i32
    %dma_wait3A_467 = tpu.memref_slice %dma_wait3A_464[%dma_wait3A_436, %dma_wait3A_465, %dma_wait3A_466] : memref<8x50x32xf32, #tpu.memory_space<vmem>> -> memref<1x50x32xf32, #tpu.memory_space<vmem>>
    %dma_wait3A_468 = tpu.memref_squeeze %dma_wait3A_467 : memref<1x50x32xf32, #tpu.memory_space<vmem>> -> memref<50x32xf32, #tpu.memory_space<vmem>>
    tpu.wait_dma2 semaphore(%arg8 : memref<!tpu.dma_semaphore, #tpu.memory_space<semaphore_mem>>) src(%dma_wait3A_468 : memref<50x32xf32, #tpu.memory_space<vmem>>) dst(%dma_wait3A_459 : memref<50x32xf32, #tpu.memory_space<hbm>>)
    return
  }
}

</mosaic_0001>

<sc_bundles>
// kernel: kernel.3.cloned.1.call-start
scs
__scs_entry_jumppad:
0x0: {  	(pc) =	sbr.rel $0x88, $3  }
0x1: {  	(tag) =	ssettag $0x0;
	lr =	simm.s32 $0x1  }
0x2: {  	[smem:$0x3F9F] =	sst lr;
	_ =	strace $0xD0000000  }
0x3: {  	_ = 	snop  }
0x4: {  	_ = 	snop  }
0x5: {  	_ = 	snop  }
0x6: {  	_ = 	snop  }
0x7: {  	_ = 	snop  }
__scs_overlays_trampoline_lowered:
0x8: {  	[smem:$0x3FAE] =	sst s0  }
0x9: {  	[smem:$0x3FAF] =	sst s1  }
0xa: {  	[smem:$0x3FB0] =	sst s2  }
0xb: {  	[smem:$0x3FB1] =	sst s3  }
0xc: {  	[smem:$0x3FB2] =	sst s4  }
0xd: {  	[smem:$0x3FB3] =	sst s5  }
0xe: {  	[smem:$0x3FB4] =	sst s6  }
0xf: {  	[smem:$0x3FB5] =	sst s7  }
0x10: {  	[smem:$0x3FB6] =	sst s8  }
0x11: {  	[smem:$0x3FB7] =	sst s9;
	s0 =	simm.s32 @!p0 $0x0  }
0x12: {  	s1 =	sld [smem:$0x3F9D];
	s0 =	simm.s32 @p0 $0x1  }
0x13: {  	[smem:$0x3FB8] =	sst s0;
	s0 =	simm.s32 @!p1 $0x0  }
0x14: {  	s2 =	sld [smem:$0x3F9C];
	s0 =	simm.s32 @p1 $0x1  }
0x15: {  	[smem:$0x3FB9] =	sst s0;
	s0 =	simm.s32 @!p2 $0x0  }
0x16: {  	s3 =	sld [smem:$0x3FDB];
	s0 =	simm.s32 @p2 $0x1  }
0x17: {  	s4 =	simm.s32 $0x1BF5;
	[smem:$0x3FBB] =	sst s0  }
0x18: {  	s0 =	sld [smem:$0x3F9E];
	_ =	swait.ge [sflag:s4], $0x0  }
0x19: {  	s7 =	sld [smem:$0x3F9F]  }
0x1a: {  	s8 =	sadd.s32 $0xFFFFE003, lr  }
0x1b: {  	s9 =	sadd.s32 $0xFFFFFEF7, lr;
	s5 =	simm.s32 $0xFFFFFFFF;
	p2 =	slt.u32 s8, $0xFFFFF086  }
0x1c: {  	p1 =	slt.u32 s9, $0xF7A;
	s5 =	simm.s32 @!p2 $0x0  }
0x1d: {  	s5 =	simm.s32 @p1 $0x1;
	p0 =	seq.s32 s7, s2  }
0x1e: {  	s7 =	smul.u32 @!p0 $0xF7A, s2;
	p2 =	seq.s32 @!p0 s5, $0x0  }
0x1f: {  	s9 =	smul.u32 $0xF7A, s1;
	s8 =	simm.s32 @!p0 $0x1BF5;
	p2 =	por !p2, p0  }
0x20: {  	[sflag:s8] =	ssyncset.s32 @!p0 $0xFFFFF086;
	s6 =	sadd.s32 @!p0 s3, s7;
	s7 =	simm.s32 @!p0 $0x108  }
0x21: {  	s3 =	sadd.s32 s3, s9;
	s6 =	sadd.s32 @!p0 $0x88, s6;
	s7 =	simm.s32 @p2 $0x1082  }
0x22: {  	[simem:s7], [sflag:s8] =	dma.local @!p0 [hbm:s6], $0xF7A  }
0x23: {  	s9 =	sor.u32 $0xD0000000, s2;
	s6 =	simm.s32 $0x108;
	_ =	swait.ge @!p0 [sflag:s8], $0x0  }
0x24: {  	s3 =	sadd.s32 $0x88, s3;
	s6 =	simm.s32 @!p1 $0x1082;
	[sflag:s4] =	ssyncset.s32 $0xFFFFF086  }
0x25: {  	[simem:s6], [sflag:s4] =	dma.local [hbm:s3], $0xF7A  }
0x26: {  	[smem:$0x3F9F] =	sst s1;
	(tag) =	ssettag s2;
	_ =	strace s9  }
0x27: {  	s1 =	sld [smem:$0x3FAF]  }
0x28: {  	s2 =	sld [smem:$0x3FB0]  }
0x29: {  	s4 =	sld [smem:$0x3FB2]  }
0x2a: {  	p0 =	seq.s32 s5, $0x0;
	s5 =	sld [smem:$0x3FB3]  }
0x2b: {  	s6 =	sld [smem:$0x3FB4]  }
0x2c: {  	s7 =	sld [smem:$0x3FB5]  }
0x2d: {  	s3 =	simm.s32 $0x108;
	s8 =	sld [smem:$0x3FB6]  }
0x2e: {  	s3 =	simm.s32 @!p0 $0x1082;
	s9 =	sld [smem:$0x3FB7]  }
0x2f: {  	lr =	sadd.s32 s0, s3;
	s0 =	sld [smem:$0x3FAE]  }
0x30: {  	s3 =	sld [smem:$0x3FB1]  }
0x31: {  	[smem:$0x3FBA] =	sst s10  }
0x32: {  	s10 =	sld [smem:$0x3FB8];
	_ =	sdelay $0x3  }
0x33: {  	p0 =	seq.s32 s10, $0x1;
	s10 =	sld [smem:$0x3FBA];
	_ =	sdelay $0x3  }
0x34: {  	[smem:$0x3FBA] =	sst s10  }
0x35: {  	s10 =	sld [smem:$0x3FB9];
	_ =	sdelay $0x3  }
0x36: {  	p1 =	seq.s32 s10, $0x1;
	s10 =	sld [smem:$0x3FBA];
	_ =	sdelay $0x3  }
0x37: {  	[smem:$0x3FBA] =	sst s10  }
0x38: {  	s10 =	sld [smem:$0x3FBB]  }
0x39: {  	_ = 	snop;
	(pc) =	sbr.ind lr, $3  }
0x3a: {  	_ = 	snop  }
0x3b: {  	_ = 	snop  }
0x3c: {  	p2 =	seq.s32 s10, $0x1;
	s10 =	sld [smem:$0x3FBA]  }
0x3d: {  	_ =	shalt  }
0x3e: {  	_ =	shalt  }
0x3f: {  	_ =	shalt  }
0x40: {  	_ =	shalt  }
0x41: {  	_ =	shalt  }
0x42: {  	_ =	shalt  }
0x43: {  	_ =	shalt  }
0x44: {  	_ =	shalt  }
0x45: {  	_ =	shalt  }
0x46: {  	_ =	shalt  }
0x47: {  	_ =	shalt  }
0x48: {  	_ =	shalt  }
0x49: {  	_ =	shalt  }
0x4a: {  	_ =	shalt  }
0x4b: {  	_ =	shalt  }
0x4c: {  	_ =	shalt  }
0x4d: {  	_ =	shalt  }
0x4e: {  	_ =	shalt  }
0x4f: {  	_ =	shalt  }
0x50: {  	_ =	shalt  }
0x51: {  	_ =	shalt  }
0x52: {  	_ =	shalt  }
0x53: {  	_ =	shalt  }
0x54: {  	_ =	shalt  }
0x55: {  	_ =	shalt  }
0x56: {  	_ =	shalt  }
0x57: {  	_ =	shalt  }
0x58: {  	_ =	shalt  }
0x59: {  	_ =	shalt  }
0x5a: {  	_ =	shalt  }
0x5b: {  	_ =	shalt  }
0x5c: {  	_ =	shalt  }
0x5d: {  	_ =	shalt  }
0x5e: {  	_ =	shalt  }
0x5f: {  	_ =	shalt  }
0x60: {  	_ =	shalt  }
0x61: {  	_ =	shalt  }
0x62: {  	_ =	shalt  }
0x63: {  	_ =	shalt  }
0x64: {  	_ =	shalt  }
0x65: {  	_ =	shalt  }
0x66: {  	_ =	shalt  }
0x67: {  	_ =	shalt  }
0x68: {  	_ =	shalt  }
0x69: {  	_ =	shalt  }
0x6a: {  	_ =	shalt  }
0x6b: {  	_ =	shalt  }
0x6c: {  	_ =	shalt  }
0x6d: {  	_ =	shalt  }
0x6e: {  	_ =	shalt  }
0x6f: {  	_ =	shalt  }
0x70: {  	_ =	shalt  }
0x71: {  	_ =	shalt  }
0x72: {  	_ =	shalt  }
0x73: {  	_ =	shalt  }
0x74: {  	_ =	shalt  }
0x75: {  	_ =	shalt  }
0x76: {  	_ =	shalt  }
0x77: {  	_ =	shalt  }
0x78: {  	_ =	shalt  }
0x79: {  	_ =	shalt  }
0x7a: {  	_ =	shalt  }
0x7b: {  	_ =	shalt  }
0x7c: {  	_ =	shalt  }
0x7d: {  	_ =	shalt  }
0x7e: {  	_ =	shalt  }
0x7f: {  	_ =	shalt  }
0x80: {  	_ =	shalt  }
0x81: {  	_ =	shalt  }
0x82: {  	_ =	shalt  }
0x83: {  	_ =	shalt  }
0x84: {  	_ =	shalt  }
0x85: {  	_ =	shalt  }
0x86: {  	_ =	shalt  }
0x87: {  	_ =	shalt  }
.Lfunc_end0:
.L_simem_size_0:
called_computation.1_lowered:
.L_overlay_start_0:
0x88: {  	s2 =	sld [smem:$0x3FD9]  }
0x89: {  	s3 =	sld [smem:$0x3FFE];
	_ =	sdelay $0x1  }
0x8a: {  	s1 =	srdreg.scid  }
0x8b: {  	s0 =	sand.u32 $0x1, s1  }
0x8c: {  	s17 =	sshll.u32 s0, $0xA;
	s2 =	sadd.s32 s3, s2  }
0x8d: {  	s2 =	sadd.s32 s2, s17  }
0x8e: {  	[smem:$0x3FC6] =	sst s2  }
0x8f: {  	_ = 	snop  }
0x90: {  	s2 =	sld [smem:$0x3FD0];
	(tm) =	ssettm $0x1  }
0x91: {  	s18 =	sld [smem:$0x3FFB];
	_ =	sdelay $0x3  }
0x92: {  	_ =	strace s18  }
0x93: {  	s3 =	sld [smem:$0x3FFC];
	_ =	sdelay $0x3  }
0x94: {  	_ =	strace s3  }
0x95: {  	s3 =	sld [smem:$0x3FFD];
	_ =	sdelay $0x3  }
0x96: {  	_ =	strace s3  }
0x97: {  	_ =	strace $0x8FFFFFFF  }
0x98: {  	s19 =	sld [smem:$0x3FDB];
	_ =	sdelay $0x1  }
0x99: {  	s4 =	simm.s32 $_scs_section_size  }
0x9a: {  	s5 =	simm.s32 $_size__tile_overlayer_lowered;
	s6 =	simm.s32 $_tile_overlayer_lowered  }
0x9b: {  	s22 =	simm.s32 $0x1BFF;
	s21 =	sshll.u32 s6, $0x1;
	s3 =	sadd.s32 s4, s19  }
0x9c: {  	s7 =	simm.s32 $0x0;
	s20 =	sshll.u32 s5, $0x1;
	s5 =	sadd.s32 s21, s3  }
0x9d: {  	[timem:s7], [sflag:s22] =	dma.local [hbm:s5], s20  }
0x9e: {  	_ =	swait.ge [sflag:s22], s20  }
0x9f: {  	s4 =	ssub.s32 $0x0, s20;
	[sflag:s22] =	ssyncset.done $0x0  }
0xa0: {  	[sflag:s22] =	ssyncadd.s32 s4;
	_ =	sdelay $0x1  }
0xa1: {  	s23 =	simm.s32 $0x1B8B  }
0xa2: {  	_ =	swait.ge [sflag:s23], $0x1  }
0xa3: {  	[sflag:s23] =	ssyncset.done $0x0  }
0xa4: {  	s25 =	simm.s32 $0x1B8E;
	s24 =	sld [smem:$0x3FFE];
	[sflag:s23] =	ssyncadd.s32 $0xFFFFFFFF  }
0xa5: {  	s26 =	simm.s32 $execute0_lowered;
	[smem:$0x3FD2] =	sst s25  }
0xa6: {  	s5 =	sshll.u32 s26, $0x1;
	_ =	strace $0x80000046;
	[dreg:$0x1] =	wrdreg $0xFFFFFFFF  }
0xa7: {  	s28 =	simm.s32 $_size_execute0_lowered;
	s3 =	sadd.s32 s3, s5;
	[dreg:$0x0] =	wrdreg $0x0  }
0xa8: {  	s5 =	sshll.u32 s28, $0x1;
	[dreg:$0x2] =	wrdreg s3  }
0xa9: {  	[dreg:$0x3] =	wrdreg s5  }
0xaa: {  	[dreg:$0x4] =	wrdreg $0xC0  }
0xab: {  	_ =	task [dreg:s7], $0x5FFFF  }
0xac: {  	[dreg:$0x1] =	wrdreg $0xFFFFFFFF  }
0xad: {  	[dreg:$0x0] =	wrdreg $0x60  }
0xae: {  	[dreg:$0x2] =	wrdreg s2  }
0xaf: {  	[dreg:$0x3] =	wrdreg s24  }
0xb0: {  	[dreg:$0x4] =	wrdreg $0x9  }
0xb1: {  	_ =	task.clear_ibuf [dreg:s7], $0x5FFFF;
	_ =	strace $0x90000046  }
0xb2: {  	s29 =	simm.s32 $0x9;
	_ =	strace $0x80000048  }
0xb3: {  	_ =	swait.ge [sflag:s29], $0x1  }
0xb4: {  	[sflag:s29] =	ssyncadd.s32 $0xFFFFFFFF  }
0xb5: {  	_ =	strace $0x90000048  }
0xb6: {  	_ =	sfence  }
0xb7: {  	s30 =	sld [smem:$0x0];
	_ =	sdelay $0x2  }
0xb8: {  	s31 =	sshll.u32 s1, $0xD;
	s1 =	sshrl.u32 s1, $0x2  }
0xb9: {  	s3 =	sand.u32 $0x4000, s31;
	s1 =	sadd.s32 s1, s30  }
0xba: {  	s0 =	sor.u32 s3, s0;
	s1 =	sshll.u32 s1, $0x11  }
0xbb: {  	s0 =	sor.u32 s1, s0  }
0xbc: {  	s0 =	sadd.s32 $0x8F2B, s0  }
0xbd: {  	[sflag:s0] =	ssyncadd.remote.s32 $0x1  }
0xbe: {  	_ =	sfence.sel $0xFFFF  }
0xbf: {  	[dreg:$0x0] =	wrdreg $0xFFFFFFFF;
	(pc) =	sbr.abs _section_cstart, $3  }
0xc0: {  	[dreg:$0x1] =	wrdreg $0xFFFFFFFF  }
0xc1: {  	_ =	task.clear_ibuf [dreg:s7], $0x2FFFF;
	_ =	strace $0x9FFFFFFF  }
0xc2: {  	(tm) =	ssettm $0x7FFFFFFF  }
0xc3: {  	_ =	shalt  }
tec
execute0_lowered:
.L_overlay_start_1:
0x0: {  	(tag) =	ssettag $0x1  }
0x1: {  	s0 =	rddreg [dreg:$0x0]  }
0x2: {  	s1 =	rddreg [dreg:$0x1]  }
0x3: {  	s2 =	simm.s32 $0x0;
	s3 =	srdreg.scid;
	s10 =	stileid.u32  }
0x4: {  	s14 =	simm.s32 $0x3;
	s15 =	simm.s32 $0x32;
	s28 =	simm.s32 $0x150  }
0x5: {  	s29 =	simm.s32 $0x9580;
	s30 =	simm.s32 $0x188;
	s31 =	simm.s32 $0x9BC0  }
0x6: {  	s16 =	simm.s32 $0x80;
	s17 =	simm.s32 $0x2;
	s18 =	simm.s32 $0x0  }
0x7: {  	[smem:$0x7FF] =	sst s2;
	s4 =	sand.u32 $0x1, s3;
	s5 =	smul.u32 $0x700000, s10  }
0x8: {  	s19 =	sshll.u32 s10, $0x1;
	s3 =	sadd.s32 $0xF42E00, s1;
	s24 =	smul.u32 $0xE0000, s10  }
0x9: {  	_ =	strace $0x80000047;
	s6 =	ssub.s32 $0x2, s4;
	s8 =	smul.u32 $0x380000, s4  }
0xa: {  	s7 =	sor.u32 s4, s19;
	s19 =	sadd.s32 $0xA00, s1;
	s4 =	smul.u32 $0x70000, s4  }
0xb: {  	s1 =	simm.s32 $0x20;
	s9 =	sshrl.u32 s6, $0x1;
	s7 =	smul.u32 $0xE00, s7  }
0xc: {  	s20 =	ssub.s32 s6, s9;
	s12 =	sadd.s32 s8, s5;
	s13 =	sadd.s32 s4, s24  }
0xd: {  	s5 =	sadd.s32 s0, s7;
	s6 =	smax.u32 s20, $0x1;
	s21 =	sor.u32 $0xC400, s12  }
0xe: {  	s22 =	sor.u32 $0xA800, s12;
	s23 =	sor.u32 $0x8C00, s12;
	s25 =	sor.u32 $0x7000, s12  }
0xf: {  	s11 =	sor.u32 $0x5400, s12;
	s26 =	sor.u32 $0x3800, s12;
	s0 =	simm.s32 $0x1  }
0x10: {  	s7 =	sshrl.u32 s21, $0x3;
	s8 =	sshrl.u32 s22, $0x3;
	s9 =	sshrl.u32 s23, $0x3  }
0x11: {  	s10 =	sshrl.u32 s25, $0x3;
	s11 =	sshrl.u32 s11, $0x3;
	s12 =	sshrl.u32 s26, $0x3  }
.LBB2_1:
0x12: {  	[tilespmem:s2], [sflag:$0x3] =	stream.linear.gather [hbm4b:s5+s2], $0x7000, $0x38;
	[tilespmem:$0xD400] =	vst v63  }
0x13: {  	_ =	swait.ge [sflag:s14], $0x7000  }
0x14: {  	[sflag:s14] =	ssyncset.done $0x0  }
0x15: {  	s4 =	simm.s32 $0x7000;
	[sflag:s14] =	ssyncadd.s32 $0xFFFF9000  }
0x16: {  	[tilespmem:s4], [sflag:$0x1] =	stream.indirect.gather [hbm4b:s3+s15], $0x20, s2, s15, $0xb8;
	[tilespmem:$0xD400] =	vst v63  }
0x17: {  	s24 =	simm.s32 $0x38;
	s20 =	simm.s32 $0x7640  }
0x18: {  	[tilespmem:s20], [sflag:$0x1] =	stream.indirect.gather [hbm4b:s3+s15], $0x20, s24, s15, $0xb8;
	[tilespmem:$0xD400] =	vst v63  }
0x19: {  	s25 =	simm.s32 $0x70;
	s26 =	simm.s32 $0x7C80  }
0x1a: {  	[tilespmem:s26], [sflag:$0x1] =	stream.indirect.gather [hbm4b:s3+s15], $0x20, s25, s15, $0xb8;
	[tilespmem:$0xD400] =	vst v63  }
0x1b: {  	s21 =	simm.s32 $0xA8;
	s22 =	simm.s32 $0x82C0  }
0x1c: {  	[tilespmem:s22], [sflag:$0x1] =	stream.indirect.gather [hbm4b:s3+s15], $0x20, s21, s15, $0xb8;
	[tilespmem:$0xD400] =	vst v63  }
0x1d: {  	s23 =	simm.s32 $0xE0;
	s24 =	simm.s32 $0x8900  }
0x1e: {  	[tilespmem:s24], [sflag:$0x1] =	stream.indirect.gather [hbm4b:s3+s15], $0x20, s23, s15, $0xb8;
	[tilespmem:$0xD400] =	vst v63  }
0x1f: {  	s25 =	simm.s32 $0x118;
	s26 =	simm.s32 $0x8F40  }
0x20: {  	[tilespmem:s26], [sflag:$0x1] =	stream.indirect.gather [hbm4b:s3+s15], $0x20, s25, s15, $0xb8;
	[tilespmem:$0xD400] =	vst v63  }
0x21: {  	_ = 	snop  }
0x22: {  	[tilespmem:s29], [sflag:$0x1] =	stream.indirect.gather [hbm4b:s3+s15], $0x20, s28, s15, $0xb8;
	[tilespmem:$0xD400] =	vst v63  }
0x23: {  	s4 =	smov.u32 s19;
	s20 =	simm.s32 $0x0;
	s21 =	simm.s32 $0x0  }
0x24: {  	[tilespmem:s31], [sflag:$0x1] =	stream.indirect.gather [hbm4b:s3+s15], $0x20, s30, s15, $0xb8;
	[tilespmem:$0xD400] =	vst v63  }
.LBB2_2:
0x25: {  	_ =	swait.ge [sflag:s0], $0x640  }
0x26: {  	[sflag:s0] =	ssyncset.done $0x0  }
0x27: {  	[sflag:s0] =	ssyncadd.s32 $0xFFFFF9C0  }
0x28: {  	_ =	swait.ge [sflag:s0], $0x640  }
0x29: {  	[sflag:s0] =	ssyncset.done $0x0  }
0x2a: {  	[sflag:s0] =	ssyncadd.s32 $0xFFFFF9C0  }
0x2b: {  	_ =	swait.ge [sflag:s0], $0x640  }
0x2c: {  	[sflag:s0] =	ssyncset.done $0x0  }
0x2d: {  	[sflag:s0] =	ssyncadd.s32 $0xFFFFF9C0  }
0x2e: {  	_ =	swait.ge [sflag:s0], $0x640  }
0x2f: {  	[sflag:s0] =	ssyncset.done $0x0  }
0x30: {  	[sflag:s0] =	ssyncadd.s32 $0xFFFFF9C0  }
0x31: {  	_ =	swait.ge [sflag:s0], $0x640  }
0x32: {  	[sflag:s0] =	ssyncset.done $0x0  }
0x33: {  	[sflag:s0] =	ssyncadd.s32 $0xFFFFF9C0  }
0x34: {  	_ =	swait.ge [sflag:s0], $0x640  }
0x35: {  	[sflag:s0] =	ssyncset.done $0x0  }
0x36: {  	[sflag:s0] =	ssyncadd.s32 $0xFFFFF9C0  }
0x37: {  	_ =	swait.ge [sflag:s0], $0x640  }
0x38: {  	[sflag:s0] =	ssyncset.done $0x0  }
0x39: {  	[sflag:s0] =	ssyncadd.s32 $0xFFFFF9C0  }
0x3a: {  	_ =	swait.ge [sflag:s0], $0x640  }
0x3b: {  	p0 =	seq.s32 s20, $0x0;
	[sflag:s0] =	ssyncset.done $0x0  }
0x3c: {  	s22 =	simm.s32 @!p0 $0x2;
	[sflag:s0] =	ssyncadd.s32 $0xFFFFF9C0  }
0x3d: {  	_ =	swait.ge @!p0 [sflag:s22], $0x640  }
0x3e: {  	[sflag:s22] =	ssyncset.done @!p0 $0x0  }
0x3f: {  	[sflag:s22] =	ssyncadd.s32 @!p0 $0xFFFFF9C0  }
0x40: {  	_ =	swait.ge @!p0 [sflag:s22], $0x640  }
0x41: {  	[sflag:s22] =	ssyncset.done @!p0 $0x0  }
0x42: {  	[sflag:s22] =	ssyncadd.s32 @!p0 $0xFFFFF9C0  }
0x43: {  	_ =	swait.ge @!p0 [sflag:s22], $0x640  }
0x44: {  	[sflag:s22] =	ssyncset.done @!p0 $0x0  }
0x45: {  	[sflag:s22] =	ssyncadd.s32 @!p0 $0xFFFFF9C0  }
0x46: {  	_ =	swait.ge @!p0 [sflag:s22], $0x640  }
0x47: {  	[sflag:s22] =	ssyncset.done @!p0 $0x0  }
0x48: {  	[sflag:s22] =	ssyncadd.s32 @!p0 $0xFFFFF9C0  }
0x49: {  	_ =	swait.ge @!p0 [sflag:s22], $0x640  }
0x4a: {  	[sflag:s22] =	ssyncset.done @!p0 $0x0  }
0x4b: {  	[sflag:s22] =	ssyncadd.s32 @!p0 $0xFFFFF9C0  }
0x4c: {  	_ =	swait.ge @!p0 [sflag:s22], $0x640  }
0x4d: {  	[sflag:s22] =	ssyncset.done @!p0 $0x0  }
0x4e: {  	[sflag:s22] =	ssyncadd.s32 @!p0 $0xFFFFF9C0  }
0x4f: {  	_ =	swait.ge @!p0 [sflag:s22], $0x640  }
0x50: {  	s23 =	sand.u32 $0x1, s21;
	[sflag:s22] =	ssyncset.done @!p0 $0x0  }
0x51: {  	s24 =	smul.u32 $0xC800, s23;
	[sflag:s22] =	ssyncadd.s32 @!p0 $0xFFFFF9C0  }
0x52: {  	_ =	swait.ge @!p0 [sflag:s22], $0x640  }
0x53: {  	s24 =	sshrl.u32 s24, $0x2;
	[sflag:s22] =	ssyncset.done @!p0 $0x0  }
0x54: {  	s25 =	sadd.s32 $0x7000, s24;
	[sflag:s22] =	ssyncadd.s32 @!p0 $0xFFFFF9C0;
	s22 =	sadd.s32 s4, s13  }
0x55: {  	[hbm4b:s22+s1] =	stream.strided.scatter [tilespmem:s25], [sflag:$0x2], $0x640, s16, s1, $0x38;
	[tilespmem:$0xD400] =	vst v63  }
0x56: {  	s26 =	sadd.s32 $0x7640, s24;
	s22 =	sadd.s32 $0x380, s22  }
0x57: {  	[hbm4b:s22+s1] =	stream.strided.scatter [tilespmem:s26], [sflag:$0x2], $0x640, s16, s1, $0x38;
	[tilespmem:$0xD400] =	vst v63  }
0x58: {  	s25 =	sadd.s32 $0x7C80, s24;
	s26 =	sadd.s32 s4, s12  }
0x59: {  	[hbm4b:s26+s1] =	stream.strided.scatter [tilespmem:s25], [sflag:$0x2], $0x640, s16, s1, $0x38;
	[tilespmem:$0xD400] =	vst v63  }
0x5a: {  	p0 =	seq.s32 s20, $0x1B900;
	s25 =	sadd.s32 $0x82C0, s24;
	s26 =	sadd.s32 s4, s11  }
0x5b: {  	[hbm4b:s26+s1] =	stream.strided.scatter [tilespmem:s25], [sflag:$0x2], $0x640, s16, s1, $0x38;
	[tilespmem:$0xD400] =	vst v63  }
0x5c: {  	s22 =	sxor.u32 @!p0 $0x1, s23;
	s25 =	sadd.s32 $0x8900, s24;
	s26 =	sadd.s32 s4, s10  }
0x5d: {  	[hbm4b:s26+s1] =	stream.strided.scatter [tilespmem:s25], [sflag:$0x2], $0x640, s16, s1, $0x38;
	[tilespmem:$0xD400] =	vst v63  }
0x5e: {  	s23 =	sshra.s32 @!p0 s20, $0x2;
	s25 =	sadd.s32 $0x8F40, s24;
	s26 =	sadd.s32 s4, s9  }
0x5f: {  	[hbm4b:s26+s1] =	stream.strided.scatter [tilespmem:s25], [sflag:$0x2], $0x640, s16, s1, $0x38;
	[tilespmem:$0xD400] =	vst v63  }
0x60: {  	s22 =	smul.u32 @!p0 $0xC800, s22;
	s25 =	sadd.s32 $0x9580, s24;
	s26 =	sadd.s32 s4, s8  }
0x61: {  	[hbm4b:s26+s1] =	stream.strided.scatter [tilespmem:s25], [sflag:$0x2], $0x640, s16, s1, $0x38;
	[tilespmem:$0xD400] =	vst v63  }
0x62: {  	s22 =	sshrl.u32 @!p0 s22, $0x2;
	s25 =	sadd.s32 $0x9BC0, s24;
	s26 =	sadd.s32 s4, s7  }
0x63: {  	[hbm4b:s26+s1] =	stream.strided.scatter [tilespmem:s25], [sflag:$0x2], $0x640, s16, s1, $0x38;
	[tilespmem:$0xD400] =	vst v63  }
0x64: {  	s24 =	sadd.s32 @!p0 $0x7000, s22;
	s25 =	sadd.s32 @!p0 $0x1C0, s23;
	s26 =	simm.s32 @!p0 $0x32  }
0x65: {  	[tilespmem:s24], [sflag:$0x1] =	stream.indirect.gather @!p0 [hbm4b:s3+s26], $0x20, s25, s26, $0xb8;
	[tilespmem:$0xD400] =	vst v63  }
0x66: {  	s24 =	sadd.s32 @!p0 $0x7640, s22;
	s25 =	sadd.s32 @!p0 $0x1F8, s23  }
0x67: {  	[tilespmem:s24], [sflag:$0x1] =	stream.indirect.gather @!p0 [hbm4b:s3+s26], $0x20, s25, s26, $0xb8;
	[tilespmem:$0xD400] =	vst v63  }
0x68: {  	s24 =	sadd.s32 @!p0 $0x7C80, s22;
	s25 =	sadd.s32 @!p0 $0x230, s23  }
0x69: {  	[tilespmem:s24], [sflag:$0x1] =	stream.indirect.gather @!p0 [hbm4b:s3+s26], $0x20, s25, s26, $0xb8;
	[tilespmem:$0xD400] =	vst v63  }
0x6a: {  	s20 =	sadd.s32 @!p0 $0x700, s20;
	s24 =	sadd.s32 @!p0 $0x82C0, s22;
	s25 =	sadd.s32 @!p0 $0x268, s23  }
0x6b: {  	[tilespmem:s24], [sflag:$0x1] =	stream.indirect.gather @!p0 [hbm4b:s3+s26], $0x20, s25, s26, $0xb8;
	[tilespmem:$0xD400] =	vst v63  }
0x6c: {  	p1 =	sne.s32 @!p0 s20, $0x1C000;
	s24 =	sadd.s32 @!p0 $0x8900, s22;
	s25 =	sadd.s32 @!p0 $0x2A0, s23  }
0x6d: {  	[tilespmem:s24], [sflag:$0x1] =	stream.indirect.gather @!p0 [hbm4b:s3+s26], $0x20, s25, s26, $0xb8;
	[tilespmem:$0xD400] =	vst v63  }
0x6e: {  	p1 =	por p0, !p1;
	s24 =	sadd.s32 @!p0 $0x8F40, s22;
	s25 =	sadd.s32 @!p0 $0x2D8, s23  }
0x6f: {  	[tilespmem:s24], [sflag:$0x1] =	stream.indirect.gather @!p0 [hbm4b:s3+s26], $0x20, s25, s26, $0xb8;
	[tilespmem:$0xD400] =	vst v63  }
.Ltmp0:
0x70: {  	_ = 	snop;
	(pc) =	sbr.rel @!p1 .LBB2_2-.Ltmp0, $4  }
0x71: {  	s21 =	sadd.s32 @!p0 $0x1, s21;
	s24 =	sadd.s32 @!p0 $0x9580, s22;
	s25 =	sadd.s32 @!p0 $0x310, s23  }
0x72: {  	[tilespmem:s24], [sflag:$0x1] =	stream.indirect.gather @!p0 [hbm4b:s3+s26], $0x20, s25, s26, $0xb8;
	[tilespmem:$0xD400] =	vst v63  }
0x73: {  	s4 =	sadd.s32 @!p0 $0x1C00, s4;
	s22 =	sadd.s32 @!p0 $0x9BC0, s22;
	s23 =	sadd.s32 @!p0 $0x348, s23  }
0x74: {  	[tilespmem:s22], [sflag:$0x1] =	stream.indirect.gather @!p0 [hbm4b:s3+s26], $0x20, s23, s26, $0xb8;
	[tilespmem:$0xD400] =	vst v63  }
0x75: {  	_ =	swait.ge [sflag:s17], $0x640  }
0x76: {  	[sflag:s17] =	ssyncset.done $0x0  }
0x77: {  	[sflag:s17] =	ssyncadd.s32 $0xFFFFF9C0  }
0x78: {  	_ =	swait.ge [sflag:s17], $0x640  }
0x79: {  	[sflag:s17] =	ssyncset.done $0x0  }
0x7a: {  	[sflag:s17] =	ssyncadd.s32 $0xFFFFF9C0  }
0x7b: {  	_ =	swait.ge [sflag:s17], $0x640  }
0x7c: {  	[sflag:s17] =	ssyncset.done $0x0  }
0x7d: {  	[sflag:s17] =	ssyncadd.s32 $0xFFFFF9C0  }
0x7e: {  	_ =	swait.ge [sflag:s17], $0x640  }
0x7f: {  	[sflag:s17] =	ssyncset.done $0x0  }
0x80: {  	[sflag:s17] =	ssyncadd.s32 $0xFFFFF9C0  }
0x81: {  	_ =	swait.ge [sflag:s17], $0x640  }
0x82: {  	[sflag:s17] =	ssyncset.done $0x0  }
0x83: {  	[sflag:s17] =	ssyncadd.s32 $0xFFFFF9C0  }
0x84: {  	_ =	swait.ge [sflag:s17], $0x640  }
0x85: {  	[sflag:s17] =	ssyncset.done $0x0  }
0x86: {  	s18 =	sadd.s32 $0x1, s18;
	[sflag:s17] =	ssyncadd.s32 $0xFFFFF9C0  }
0x87: {  	p0 =	sne.s32 s18, s6;
	_ =	swait.ge [sflag:s17], $0x640  }
.Ltmp1:
0x88: {  	[sflag:s17] =	ssyncset.done $0x0;
	(pc) =	sbr.rel @p0 .LBB2_1-.Ltmp1, $4  }
0x89: {  	[sflag:s17] =	ssyncadd.s32 $0xFFFFF9C0  }
0x8a: {  	_ =	swait.ge [sflag:s17], $0x640  }
0x8b: {  	[sflag:s17] =	ssyncset.done $0x0  }
0x8c: {  	[sflag:s17] =	ssyncadd.s32 $0xFFFFF9C0  }
0x8d: {  	_ =	sfence.sel $0x180000  }
0x8e: {  	[bflag:$0x0] =	sbarrier.arrive $0xFFFF  }
0x8f: {  	_ =	strace $0x90000047  }
0x90: {  	s0 =	stileid.u32;
	[bflag:$0x2] =	sbarrier.arrive $0xFFFF  }
0x91: {  	p0 =	sne.s32 s0, $0x0;
	s0 =	rddreg [dreg:$0x2]  }
0x92: {  	s0 =	sadd.s32 @!p0 $0x100000, s0  }
0x93: {  	[sflag:s0] =	ssyncadd.tile.s32 @!p0 $0x1;
	_ =	shalt  }
.Lfunc_end2:
_tile_overlayer_lowered:
.L_overlay_start_2:
0x94: {  	(tag) =	ssettag $0x2  }
0x95: {  	s0 =	rddreg [dreg:$0x0];
	s2 =	stileid.u32  }
0x96: {  	s1 =	rddreg [dreg:$0x1];
	p0 =	sne.s32 s2, $0x0  }
0x97: {  	s3 =	rddreg [dreg:$0x2];
	[bflag:$0x3] =	sbarrier.arrive $0xFFFF;
	s2 =	simm.s32 @!p0 $0x1C03  }
0x98: {  	[timem:s3], [sflag:s2] =	dma.local @!p0 [hbm:s0], s1  }
0x99: {  	s0 =	simm.s32 @!p0 $0x3  }
0x9a: {  	_ =	swait.ge @!p0 [sflag:s0], s1  }
0x9b: {  	s1 =	ssub.s32 @!p0 $0x0, s1;
	[sflag:s0] =	ssyncset.done @!p0 $0x0  }
0x9c: {  	[sflag:s0] =	ssyncadd.s32 @!p0 s1  }
0x9d: {  	[bflag:$0x3] =	sbarrier.arrive $0xFFFF  }
0x9e: {  	_ =	shalt  }

// kernel: sparse-core-data-format-call.cloned.1.call-start
scs
called_computation_lowered:
.L_overlay_start_0:
0x0: {  	s2 =	sld [smem:$0x3FD9]  }
0x1: {  	s3 =	sld [smem:$0x3FFE];
	_ =	sdelay $0x1  }
0x2: {  	s1 =	srdreg.scid  }
0x3: {  	s0 =	sand.u32 $0x1, s1  }
0x4: {  	s18 =	sshll.u32 s0, $0xA;
	s2 =	sadd.s32 s3, s2  }
0x5: {  	s2 =	sadd.s32 s2, s18  }
0x6: {  	[smem:$0x3FC6] =	sst s2  }
0x7: {  	_ = 	snop  }
0x8: {  	s2 =	sld [smem:$0x3FD0];
	(tm) =	ssettm $0x1  }
0x9: {  	s19 =	sld [smem:$0x3FFB];
	_ =	sdelay $0x3  }
0xa: {  	_ =	strace s19  }
0xb: {  	s3 =	sld [smem:$0x3FFC];
	_ =	sdelay $0x3  }
0xc: {  	_ =	strace s3  }
0xd: {  	s3 =	sld [smem:$0x3FFD];
	_ =	sdelay $0x3  }
0xe: {  	_ =	strace s3  }
0xf: {  	_ =	strace $0x8FFFFFFF  }
0x10: {  	s20 =	sld [smem:$0x3FDB];
	_ =	sdelay $0x1  }
0x11: {  	s4 =	simm.s32 $_scs_section_size  }
0x12: {  	s5 =	simm.s32 $_size__tile_overlayer_lowered;
	s6 =	simm.s32 $_tile_overlayer_lowered  }
0x13: {  	s23 =	simm.s32 $0x1BFF;
	s22 =	sshll.u32 s6, $0x1;
	s3 =	sadd.s32 s4, s20  }
0x14: {  	s7 =	simm.s32 $0x0;
	s21 =	sshll.u32 s5, $0x1;
	s5 =	sadd.s32 s22, s3  }
0x15: {  	[timem:s7], [sflag:s23] =	dma.local [hbm:s5], s21  }
0x16: {  	_ =	swait.ge [sflag:s23], s21  }
0x17: {  	s4 =	ssub.s32 $0x0, s21;
	[sflag:s23] =	ssyncset.done $0x0  }
0x18: {  	[sflag:s23] =	ssyncadd.s32 s4;
	_ =	sdelay $0x1  }
0x19: {  	s24 =	simm.s32 $0x1B8B  }
0x1a: {  	_ =	swait.ge [sflag:s24], $0x1  }
0x1b: {  	[sflag:s24] =	ssyncset.done $0x0  }
0x1c: {  	s26 =	simm.s32 $0x1B8E;
	s25 =	sld [smem:$0x3FFE];
	[sflag:s24] =	ssyncadd.s32 $0xFFFFFFFF  }
0x1d: {  	s27 =	simm.s32 $execute0_lowered;
	[smem:$0x3FD2] =	sst s26  }
0x1e: {  	s5 =	sshll.u32 s27, $0x1;
	_ =	strace $0x80000049;
	[dreg:$0x1] =	wrdreg $0xFFFFFFFF  }
0x1f: {  	s28 =	simm.s32 $_size_execute0_lowered;
	s3 =	sadd.s32 s3, s5;
	[dreg:$0x0] =	wrdreg $0x0  }
0x20: {  	s5 =	sshll.u32 s28, $0x1;
	[dreg:$0x2] =	wrdreg s3  }
0x21: {  	[dreg:$0x3] =	wrdreg s5  }
0x22: {  	[dreg:$0x4] =	wrdreg $0xC0  }
0x23: {  	_ =	task [dreg:s7], $0x5FFFF  }
0x24: {  	[dreg:$0x1] =	wrdreg $0xFFFFFFFF  }
0x25: {  	[dreg:$0x0] =	wrdreg $0x60  }
0x26: {  	[dreg:$0x2] =	wrdreg s25  }
0x27: {  	[dreg:$0x3] =	wrdreg s2  }
0x28: {  	[dreg:$0x4] =	wrdreg $0x9  }
0x29: {  	_ =	task.clear_ibuf [dreg:s7], $0x5FFFF;
	_ =	strace $0x90000049  }
0x2a: {  	s29 =	simm.s32 $0x9;
	_ =	strace $0x8000004B  }
0x2b: {  	_ =	swait.ge [sflag:s29], $0x1  }
0x2c: {  	[sflag:s29] =	ssyncadd.s32 $0xFFFFFFFF  }
0x2d: {  	_ =	strace $0x9000004B  }
0x2e: {  	_ =	sfence  }
0x2f: {  	s30 =	sld [smem:$0x0];
	_ =	sdelay $0x2  }
0x30: {  	s31 =	sshll.u32 s1, $0xD;
	s1 =	sshrl.u32 s1, $0x2  }
0x31: {  	s3 =	sand.u32 $0x4000, s31;
	s1 =	sadd.s32 s1, s30  }
0x32: {  	s0 =	sor.u32 s3, s0;
	s1 =	sshll.u32 s1, $0x11  }
0x33: {  	s0 =	sor.u32 s1, s0  }
0x34: {  	s0 =	sadd.s32 $0x8F2B, s0  }
0x35: {  	[sflag:s0] =	ssyncadd.remote.s32 $0x1  }
0x36: {  	_ =	sfence.sel $0xFFFF  }
0x37: {  	[dreg:$0x0] =	wrdreg $0xFFFFFFFF;
	(pc) =	sbr.abs _section_cstart, $3  }
0x38: {  	[dreg:$0x1] =	wrdreg $0xFFFFFFFF  }
0x39: {  	_ =	task.clear_ibuf [dreg:s7], $0x2FFFF;
	_ =	strace $0x9FFFFFFF  }
0x3a: {  	(tm) =	ssettm $0x7FFFFFFF  }
0x3b: {  	_ =	shalt  }
tec
execute0_lowered:
.L_overlay_start_1:
0x0: {  	(tag) =	ssettag $0x1  }
0x1: {  	s0 =	srdreg.scid  }
0x2: {  	s1 =	sshll.u32 s0, $0x4  }
0x3: {  	s0 =	stileid.u32;
	s1 =	sand.u32 $0x10, s1  }
0x4: {  	s1 =	sor.u32 s0, s1  }
0x5: {  	s6 =	rddreg [dreg:$0x0];
	s4 =	simm.s32 $0x1;
	s2 =	sshll.u32 s1, $0x7  }
0x6: {  	s7 =	simm.s32 $0x2;
	s12 =	simm.s32 $0x0;
	s1 =	ssub.s32 $0x4000, s2  }
0x7: {  	s8 =	simm.s32 $0x20000;
	s13 =	simm.s32 $0x0;
	s3 =	sand.u32 $0xF80, s1  }
0x8: {  	s9 =	simm.s32 $0x0;
	s5 =	sshrl.u32 s1, $0xC;
	p0 =	sne.s32 s3, $0x0  }
.Ltmp0:
0x9: {  	s1 =	rddreg [dreg:$0x2];
	s4 =	simm.s32 @!p0 $0x0;
	(pc) =	sbr.rel .LBB1_1-.Ltmp0, $4  }
0xa: {  	s11 =	simm.s32 $0x0;
	s3 =	rddreg [dreg:$0x1];
	s5 =	sadd.s32 s4, s5  }
0xb: {  	_ =	strace $0x8000004A;
	s4 =	simm.s32 $0x1;
	s5 =	smul.u32 $0x32, s5  }
0xc: {  	s6 =	sadd.s32 $0xA00, s6;
	s10 =	smov.u32 s2;
	[sflag:s4] =	ssyncpa.u1 $0x0  }
0xd: {  	p0 =	por $0x0, $0x0;
	[sflag:s7] =	ssyncpa.u1 $0x0;
	s7 =	sor.u32 $0x1, s5  }
.LBB1_4:
0xe: {  	s16 =	sshll.u32 s13, $0x3;
	s17 =	sand.u32 $0x78, s13  }
0xf: {  	s30 =	sand.u32 $0xF800, s13;
	s12 =	sshll.u32 s12, $0x10;
	s16 =	sand.u32 $0x3C00, s16  }
0x10: {  	s31 =	sand.u32 $0x7, s13;
	s16 =	sor.u32 s17, s16;
	s17 =	sadd.s32 s3, s30  }
0x11: {  	s13 =	sshll.u32 s31, $0x12;
	s16 =	sshrl.u32 s16, $0x3;
	s12 =	sadd.s32 s12, s17  }
0x12: {  	[tilespmem:s15+$0x0 ss:$0x81] =	vst.msk $0xffff, v0;
	s13 =	sor.u32 $0x400, s13;
	s12 =	sadd.s32 s16, s12  }
0x13: {  	[hbm4b:s12+s13] =	stream.strided.scatter [tilespmem:s14], [sflag:$0x2], $0x1000, s8, s13, $0x20;
	[tilespmem:$0x4040] =	vst v63  }
.LBB1_5:
0x14: {  	s14 =	sadd.s32 $0x1, s9  }
0x15: {  	s12 =	sadd.s32 $0x1000, s10;
	s16 =	smov.u32 s10;
	p2 =	sgt.s32 s14, $0x31  }
0x16: {  	s16 =	smov.u32 @p2 s12  }
0x17: {  	s14 =	simm.s32 @p2 $0x0;
	p2 =	sgt.s32 s16, $0x3FFF  }
0x18: {  	s16 =	smov.u32 @p2 s2;
	p2 =	sne.s32 s11, s7  }
.Ltmp1:
0x19: {  	p1 =	slt.u32 s11, $0x2;
	(pc) =	sbr.rel @!p2 .LBB1_6-.Ltmp1, $4  }
0x1a: {  	s15 =	simm.s32 @!p1 $0x2  }
0x1b: {  	s13 =	smov.u32 s10;
	p0 =	por !p0, !p0;
	_ =	swait.ge @!p1 [sflag:s15], $0x1000  }
0x1c: {  	s12 =	smov.u32 s9;
	[sflag:s15] =	ssyncset.done @!p1 $0x0;
	s9 =	smov.u32 s14  }
0x1d: {  	s11 =	sadd.s32 $0x1, s11;
	[sflag:s15] =	ssyncadd.s32 @!p1 $0xFFFFF000;
	s10 =	smov.u32 s16  }
.LBB1_1:
0x1e: {  	p1 =	sge.u32 s11, s5  }
0x1f: {  	s14 =	sand.u32 @!p1 $0x1FFFFFF, s9  }
0x20: {  	s15 =	smulhi.u32 @!p1 $0x4924925, s14;
	_ =	sdelay $0x1  }
0x21: {  	s15 =	smul.u32 @!p1 $0x38, s15  }
0x22: {  	s16 =	sxor.u32 @!p1 $0xFFFFFFFF, s11;
	s17 =	smul.u32 @!p1 $0x380, s10  }
0x23: {  	s31 =	sadd.s32 $0xFFFFFFFF, s11;
	s16 =	sshll.u32 @!p1 s16, $0xC;
	s14 =	ssub.s32 @!p1 s14, s15  }
0x24: {  	s15 =	sand.u32 @!p1 $0x1000, s16;
	s16 =	sadd.s32 @!p1 s6, s17;
	s14 =	sshll.u32 @!p1 s14, $0x4  }
0x25: {  	s17 =	simm.s32 @!p1 $0x1C00;
	s14 =	sadd.s32 @!p1 s14, s16;
	s16 =	simm.s32 @!p1 $0x20  }
0x26: {  	[tilespmem:s15], [sflag:$0x1] =	stream.strided.gather @!p1 [hbm4b:s14+s16], $0x1000, s17, s16, $0x38;
	[tilespmem:$0x4040] =	vst v63  }
0x27: {  	p1 =	sge.u32 s31, s5  }
.Ltmp2:
0x28: {  	_ = 	snop;
	(pc) =	sbr.rel @p1 .LBB1_5-.Ltmp2, $1  }
0x29: {  	_ =	sdelay $0x3  }
0x2a: {  	s14 =	simm.s32 $0x1  }
0x2b: {  	_ =	swait.ge [sflag:s4], $0x1000;
	s14 =	simm.s32 @!p0 $0x0  }
0x2c: {  	[sflag:s4] =	ssyncset.done $0x0;
	s15 =	sshll.u32 s14, $0xC  }
0x2d: {  	[sflag:s4] =	ssyncadd.s32 $0xFFFFF000;
	s18 =	sor.u32 $0x10, s15  }
0x2e: {  	s14 =	smul.u32 $0x4080, s14;
	v1 =	vld [tilespmem:s18+$0x0]  }
0x2f: {  	s30 =	sand.u32 $0x1, s11;
	v0 =	vld [tilespmem:s18+$0xFFFFFFF0]  }
0x30: {  	s15 =	smul.u32 $0x4080, s30;
	s14 =	sshrl.u32 s14, $0x2  }
0x31: {  	s16 =	sor.u32 $0x2000, s14  }
0x32: {  	s31 =	sshrl.u32 s15, $0x2;
	s15 =	sadd.s32 $0x0, s16  }
0x33: {  	s17 =	simm.s32 $0x4;
	s18 =	sadd.s32 $0x20, s18;
	s14 =	sor.u32 $0x2000, s31;
	[tilespmem:s15+$0x810 ss:$0x81] =	vst.msk $0xffff, v1  }
.LBB1_3:
0x34: {  	v1 =	vld [tilespmem:s18+$0x0];
	p1 =	sne.s32 s17, $0x1FC;
	[tilespmem:s15+$0x0 ss:$0x81] =	vst.msk $0xffff, v0;
	s15 =	smov.u32 s17;
	s17 =	sadd.s32 $0x4, s17  }
.Ltmp3:
0x35: {  	v0 =	vld [tilespmem:s18+$0xFFFFFFF0];
	(pc) =	sbr.rel @p1 .LBB1_3-.Ltmp3, $4  }
0x36: {  	_ = 	snop  }
0x37: {  	s15 =	sshra.s32 s15, $0x2  }
0x38: {  	s15 =	sadd.s32 s15, s16  }
0x39: {  	s18 =	sadd.s32 $0x20, s18;
	[tilespmem:s15+$0x810 ss:$0x81] =	vst.msk $0xffff, v1  }
.Ltmp4:
0x3a: {  	_ = 	snop;
	(pc) =	sbr.rel .LBB1_4-.Ltmp4, $1  }
0x3b: {  	_ =	sdelay $0x3  }
.LBB1_6:
0x3c: {  	_ =	sfence.sel $0x180000  }
0x3d: {  	s2 =	simm.s32 $0x1;
	[bflag:$0x0] =	sbarrier.arrive $0xFFFF  }
0x3e: {  	s31 =	simm.s32 $0x2;
	[sflag:s2] =	ssyncpa.u1 $0x1  }
0x3f: {  	[sflag:s31] =	ssyncpa.u1 $0x1  }
0x40: {  	p0 =	sne.s32 s0, $0x0;
	_ =	strace $0x9000004A  }
0x41: {  	s0 =	sadd.s32 @!p0 $0x100000, s1;
	[bflag:$0x2] =	sbarrier.arrive $0xFFFF  }
0x42: {  	[sflag:s0] =	ssyncadd.tile.s32 @!p0 $0x1;
	_ =	shalt  }
.Lfunc_end1:
_tile_overlayer_lowered:
.L_overlay_start_2:
0x43: {  	(tag) =	ssettag $0x2  }
0x44: {  	s0 =	rddreg [dreg:$0x0];
	s2 =	stileid.u32  }
0x45: {  	s1 =	rddreg [dreg:$0x1];
	p0 =	sne.s32 s2, $0x0  }
0x46: {  	s3 =	rddreg [dreg:$0x2];
	[bflag:$0x3] =	sbarrier.arrive $0xFFFF;
	s2 =	simm.s32 @!p0 $0x1C01  }
0x47: {  	[timem:s3], [sflag:s2] =	dma.local @!p0 [hbm:s0], s1  }
0x48: {  	s0 =	simm.s32 @!p0 $0x1  }
0x49: {  	_ =	swait.ge @!p0 [sflag:s0], s1  }
0x4a: {  	s1 =	ssub.s32 @!p0 $0x0, s1;
	[sflag:s0] =	ssyncset.done @!p0 $0x0  }
0x4b: {  	[sflag:s0] =	ssyncadd.s32 @!p0 s1  }
0x4c: {  	[bflag:$0x3] =	sbarrier.arrive $0xFFFF  }
0x4d: {  	_ =	shalt  }

</sc_bundles>
